<compile_context>
chip_gen: v7x
topology: tpu7x:2x2x1
jax: 0.10.2.dev20260603
libtpu: 0.0.44.dev20260713+nightly
codegen_flags: <defaults>
</compile_context>

<pallas_src>
import functools

import jax
import jax.numpy as jnp
from jax.experimental import pallas as pl
from jax.experimental.pallas import tpu as pltpu
from jax.experimental.pallas import tpu_sc as plsc

_N = 4096
_DIM = 128
_K = 20
_ALPHA = 3.0
_BLK = 256


def _gather_body(table_hbm, idx_hbm, out_hbm, idx_v, rows_v, sem, *, n_cores, b_per_w):
    wid = jax.lax.axis_index("s") * n_cores + jax.lax.axis_index("c")
    base = wid * b_per_w
    pltpu.sync_copy(idx_hbm.at[pl.ds(base, b_per_w)], idx_v)
    pltpu.async_copy(table_hbm.at[idx_v], rows_v, sem).wait()
    pltpu.sync_copy(rows_v, out_hbm.at[pl.ds(base, b_per_w)])


def _sc_gather(emb_table, idx):
    info = plsc.get_sparse_core_info()
    nc, ns = info.num_cores, info.num_subcores
    nw = nc * ns
    b = idx.shape[0]
    b_per_w = b // nw
    mesh = plsc.VectorSubcoreMesh(core_axis_name="c", subcore_axis_name="s")
    k = pl.kernel(
        functools.partial(_gather_body, n_cores=nc, b_per_w=b_per_w),
        mesh=mesh,
        out_type=jax.ShapeDtypeStruct((b, emb_table.shape[1]), jnp.float32),
        scratch_types=[
            pltpu.VMEM((b_per_w,), jnp.int32),
            pltpu.VMEM((b_per_w, emb_table.shape[1]), jnp.float32),
            pltpu.SemaphoreType.DMA,
        ],
    )
    return k(emb_table, idx)


def _tc_body(vec1r_ref, gemb_ref, w1_ref, b1_ref, out_ref, u_ref, v_ref):
    i = pl.program_id(0)

    @pl.when(i == 0)
    def _():
        h = jax.lax.dot_general(
            vec1r_ref[...], w1_ref[...], (((1,), (1,)), ((), ())),
            preferred_element_type=jnp.float32)
        v1 = jnp.tanh(_ALPHA * (h + b1_ref[...]))
        g = gemb_ref[...]
        u_ref[:, :_DIM] = v1
        u_ref[:, _DIM:] = -g
        v_ref[:, :_DIM] = g
        v_ref[:, _DIM:] = v1

    ublk = u_ref[pl.ds(i * _BLK, _BLK), :]
    a = jax.lax.dot_general(
        ublk, v_ref[...], (((1,), (1,)), ((), ())),
        preferred_element_type=jnp.float32)
    adj = jnp.maximum(jnp.tanh(_ALPHA * a), 0.0)

    t0 = jnp.max(adj, axis=1, keepdims=True)
    ties0 = adj == t0
    tiesf0 = jnp.where(ties0, 1.0, 0.0)
    cl1 = jnp.sum(tiesf0[:, :_N // 2], axis=1, keepdims=True)
    cr1 = jnp.sum(tiesf0[:, _N // 2:], axis=1, keepdims=True)
    c0 = cl1 + cr1

    cols_i = jax.lax.broadcasted_iota(jnp.int32, (_BLK, _N), 1)

    def _locate(tiesf, need, cl_first):
        goleft = need <= cl_first
        cur = jnp.where(goleft, tiesf[:, :_N // 2], tiesf[:, _N // 2:])
        base = jnp.where(goleft, 0.0, float(_N // 2))
        need = jnp.where(goleft, need, need - cl_first)
        w = _N // 2
        while w > 1:
            half = w // 2
            left = cur[:, :half]
            right = cur[:, half:w]
            cl = jnp.sum(left, axis=1, keepdims=True)
            goleft = need <= cl
            cur = jnp.where(goleft, left, right)
            base = jnp.where(goleft, base, base + float(half))
            need = jnp.where(goleft, need, need - cl)
            w = half
        return base.astype(jnp.int32)

    common = jnp.logical_not(jnp.any(c0 < float(_K)))

    @pl.when(common)
    def _():
        need0 = jnp.full((_BLK, 1), float(_K), jnp.float32)
        c_last = _locate(tiesf0, need0, cl1)
        keep = ties0 & (cols_i <= c_last)
        out_ref[...] = jnp.where(keep, t0, 0.0)

    @pl.when(jnp.logical_not(common))
    def _():
        def _cond(carry):
            _, cnt, _ = carry
            return jnp.any(cnt < float(_K))

        def _body(carry):
            t, cnt, tie_cnt = carry
            active = cnt < float(_K)
            masked = jnp.where(adj < t, adj, -1.0)
            m = jnp.max(masked, axis=1, keepdims=True)
            c = jnp.sum(jnp.where(adj == m, 1.0, 0.0), axis=1, keepdims=True)
            t = jnp.where(active, m, t)
            cnt = jnp.where(active, cnt + c, cnt)
            tie_cnt = jnp.where(active, c, tie_cnt)
            return t, cnt, tie_cnt

        t, cnt, tie_cnt = jax.lax.while_loop(_cond, _body, (t0, c0, c0))
        ties = adj == t
        tiesf = jnp.where(ties, 1.0, 0.0)
        m20 = float(_K) - (cnt - tie_cnt)
        clr = jnp.sum(tiesf[:, :_N // 2], axis=1, keepdims=True)
        c_last = _locate(tiesf, m20, clr)
        keep = (adj > t) | (ties & (cols_i <= c_last))
        out_ref[...] = jnp.where(keep, adj, 0.0)


def _tc_graph(vec1_raw, gEmb, W1, b1):
    grid = _N // _BLK
    return pl.pallas_call(
        _tc_body,
        grid=(grid,),
        in_specs=[
            pl.BlockSpec((_N, _DIM), lambda i: (0, 0)),
            pl.BlockSpec((_N, _DIM), lambda i: (0, 0)),
            pl.BlockSpec((_DIM, _DIM), lambda i: (0, 0)),
            pl.BlockSpec((1, _DIM), lambda i: (0, 0)),
        ],
        out_specs=pl.BlockSpec((_BLK, _N), lambda i: (i, 0)),
        out_shape=jax.ShapeDtypeStruct((_N, _N), jnp.float32),
        scratch_shapes=[pltpu.VMEM((_N, 2 * _DIM), jnp.float32),
                        pltpu.VMEM((_N, 2 * _DIM), jnp.float32)],
    )(vec1_raw, gEmb, W1, b1)


def kernel(idx, gEmb, emb_table, W1, b1):
    idx = idx.astype(jnp.int32)
    vec1_raw = _sc_gather(emb_table, idx)
    return _tc_graph(vec1_raw, gEmb, W1, b1.reshape(1, _DIM))

# --- scband reference (transcript-rebuilt; emitter-appended) ---
"""Pipeline reference for scband-local-graph-creator-5574867550488 (READ-ONLY COPY).

The authoritative reference and input builder live on the scoring server;
editing this copy changes nothing except your own understanding.
"""

import jax, jax.numpy as jnp
import numpy as np

N = 4096
DIM = 128
NUM_NODES = 100000
K = 20
ALPHA = 3.0


def setup_inputs(seed: int = 0) -> dict:
    key = jax.random.key(seed)
    k1, k2, k3, k4 = jax.random.split(key, 4)
    idx = jax.random.randint(k1, (N,), 0, NUM_NODES, dtype=jnp.int64) if jax.config.jax_enable_x64 else jax.random.randint(k1, (N,), 0, NUM_NODES, dtype=jnp.int32)
    gEmb = jax.random.normal(k2, (N, DIM), dtype=jnp.float32)
    emb_table = jax.random.normal(k3, (NUM_NODES, DIM), dtype=jnp.float32)
    W1 = jax.random.normal(k4, (DIM, DIM), dtype=jnp.float32) * (1.0 / np.sqrt(DIM))
    b1 = jnp.zeros((DIM,), dtype=jnp.float32)
    return {"idx": idx, "gEmb": gEmb, "emb_table": emb_table, "W1": W1, "b1": b1}


def reference(idx, gEmb, emb_table, W1, b1):
    # vec1 = self.emb(idx)
    vec1 = jnp.take(emb_table, idx, axis=0)
    # vec1 = tanh(alpha * fc1(vec1))  (torch Linear: x @ W.T + b)
    vec1 = jnp.tanh(ALPHA * (vec1 @ W1.T + b1))
    # a = vec1 @ gEmb.T - gEmb @ vec1.T
    a = vec1 @ gEmb.T - gEmb @ vec1.T
    adj = jax.nn.relu(jnp.tanh(ALPHA * a))
    # top-k per row, scatter 1.0 into mask at top-k indices (s1 is filled with 1 before scatter)
    _s1, t1 = jax.lax.top_k(adj, K)
    rows = jnp.arange(adj.shape[0])[:, None]
    mask = jnp.zeros_like(adj).at[rows, t1].set(1.0)
    return adj * mask

if __name__ == "__main__":
    import jax
    _d = setup_inputs()
    print(jax.jit(kernel)(*tuple(_d.values())))

</pallas_src>

<mosaic_0001>
#map = affine_map<(d0, d1) -> (0, 0)>
#map1 = affine_map<(d0, d1) -> (0)>
module attributes {stable_mosaic.version = 14 : i64} {
  func.func @_gather_body(%arg0: i32, %arg1: i32, %arg2: memref<100000x128xf32, #tpu.memory_space<hbm>>, %arg3: memref<4096xi32, #tpu.memory_space<hbm>>, %arg4: memref<4096x128xf32, #tpu.memory_space<hbm>>, %arg5: memref<128xi32, #tpu.memory_space<vmem>>, %arg6: memref<128x128xf32, #tpu.memory_space<vmem>>, %arg7: memref<!tpu.dma_semaphore, #tpu.memory_space<semaphore_mem>>) attributes {dimension_semantics = [#tpu.dimension_semantics<core_parallel>, #tpu.dimension_semantics<subcore_parallel>], iteration_bounds = array<i64: 2, 16>, scalar_prefetch = 0 : i64, scratch_operands = 3 : i64, tpu.core_type = #tpu.core_type<sc_vector_subcore>, window_params = [{transform_indices = #map}, {transform_indices = #map1}, {transform_indices = #map}]} {
    %mul3A = arith.constant 2 : i32
    %mul3A_0 = arith.muli %arg1, %mul3A : i32
    %add3A = arith.addi %mul3A_0, %arg0 : i32
    %mul3A_1 = arith.constant 128 : i32
    %mul3A_2 = arith.muli %add3A, %mul3A_1 : i32
    "tpu.region"() ({
      %run_scoped3A = tpu.sem_alloc : memref<!tpu.dma_semaphore, #tpu.memory_space<semaphore_mem>>
      %dma_start3A_7 = tpu.memref_slice %arg3[%mul3A_2] : memref<4096xi32, #tpu.memory_space<hbm>> -> memref<128xi32, #tpu.memory_space<hbm>>
      %dma_start3A_8 = tpu.memref_slice %arg3[%mul3A_2] : memref<4096xi32, #tpu.memory_space<hbm>> -> memref<128xi32, #tpu.memory_space<hbm>>
      tpu.enqueue_dma source(%dma_start3A_8 : memref<128xi32, #tpu.memory_space<hbm>>) target(%arg5 : memref<128xi32, #tpu.memory_space<vmem>>) target_semaphore(%run_scoped3A : memref<!tpu.dma_semaphore, #tpu.memory_space<semaphore_mem>>)
      %dma_wait3A_9 = tpu.memref_slice %arg3[%mul3A_2] : memref<4096xi32, #tpu.memory_space<hbm>> -> memref<128xi32, #tpu.memory_space<hbm>>
      %dma_wait3A_10 = tpu.memref_slice %arg3[%mul3A_2] : memref<4096xi32, #tpu.memory_space<hbm>> -> memref<128xi32, #tpu.memory_space<hbm>>
      tpu.wait_dma2 semaphore(%run_scoped3A : memref<!tpu.dma_semaphore, #tpu.memory_space<semaphore_mem>>) src(%dma_wait3A_10 : memref<128xi32, #tpu.memory_space<hbm>>) dst(%arg5 : memref<128xi32, #tpu.memory_space<vmem>>)
      tpu.yield
    }) : () -> ()
    %dma_start3A = arith.constant 0 : i32
    %dma_start3A_3 = arith.constant 0 : i32
    %dma_start3A_4 = tpu.memref_slice %arg2[%dma_start3A, %dma_start3A_3] : memref<100000x128xf32, #tpu.memory_space<hbm>> -> memref<100000x128xf32, #tpu.memory_space<hbm>>
    tpu.enqueue_indirect_dma source(%dma_start3A_4 : memref<100000x128xf32, #tpu.memory_space<hbm>>) target(%arg6 : memref<128x128xf32, #tpu.memory_space<vmem>>) offsets(%arg5 : memref<128xi32, #tpu.memory_space<vmem>>) semaphore(%arg7 : memref<!tpu.dma_semaphore, #tpu.memory_space<semaphore_mem>>)
    %dma_wait3A = arith.constant 0 : i32
    %dma_wait3A_5 = arith.constant 0 : i32
    %dma_wait3A_6 = tpu.memref_slice %arg2[%dma_wait3A, %dma_wait3A_5] : memref<100000x128xf32, #tpu.memory_space<hbm>> -> memref<100000x128xf32, #tpu.memory_space<hbm>>
    tpu.wait_indirect_dma semaphore(%arg7 : memref<!tpu.dma_semaphore, #tpu.memory_space<semaphore_mem>>) src(%dma_wait3A_6 : memref<100000x128xf32, #tpu.memory_space<hbm>>) dst(%arg6 : memref<128x128xf32, #tpu.memory_space<vmem>>)
    "tpu.region"() ({
      %run_scoped3A = tpu.sem_alloc : memref<!tpu.dma_semaphore, #tpu.memory_space<semaphore_mem>>
      %dma_start3A_7 = arith.constant 0 : i32
      %dma_start3A_8 = tpu.memref_slice %arg4[%mul3A_2, %dma_start3A_7] : memref<4096x128xf32, #tpu.memory_space<hbm>> -> memref<128x128xf32, #tpu.memory_space<hbm>>
      %dma_start3A_9 = arith.constant 0 : i32
      %dma_start3A_10 = tpu.memref_slice %arg4[%mul3A_2, %dma_start3A_9] : memref<4096x128xf32, #tpu.memory_space<hbm>> -> memref<128x128xf32, #tpu.memory_space<hbm>>
      tpu.enqueue_dma source(%arg6 : memref<128x128xf32, #tpu.memory_space<vmem>>) target(%dma_start3A_10 : memref<128x128xf32, #tpu.memory_space<hbm>>) target_semaphore(%run_scoped3A : memref<!tpu.dma_semaphore, #tpu.memory_space<semaphore_mem>>)
      %dma_wait3A_11 = arith.constant 0 : i32
      %dma_wait3A_12 = tpu.memref_slice %arg4[%mul3A_2, %dma_wait3A_11] : memref<4096x128xf32, #tpu.memory_space<hbm>> -> memref<128x128xf32, #tpu.memory_space<hbm>>
      %dma_wait3A_13 = arith.constant 0 : i32
      %dma_wait3A_14 = tpu.memref_slice %arg4[%mul3A_2, %dma_wait3A_13] : memref<4096x128xf32, #tpu.memory_space<hbm>> -> memref<128x128xf32, #tpu.memory_space<hbm>>
      tpu.wait_dma2 semaphore(%run_scoped3A : memref<!tpu.dma_semaphore, #tpu.memory_space<semaphore_mem>>) src(%arg6 : memref<128x128xf32, #tpu.memory_space<vmem>>) dst(%dma_wait3A_14 : memref<128x128xf32, #tpu.memory_space<hbm>>)
      tpu.yield
    }) : () -> ()
    return
  }
}

module attributes {stable_mosaic.version = 14 : i64} {
  func.func @_tc_body(%arg0: i32, %arg1: memref<4096x128xf32, #tpu.memory_space<vmem>>, %arg2: memref<4096x128xf32, #tpu.memory_space<vmem>>, %arg3: memref<128x128xf32, #tpu.memory_space<vmem>>, %arg4: memref<1x128xf32, #tpu.memory_space<vmem>>, %arg5: memref<256x4096xf32, #tpu.memory_space<vmem>>, %arg6: memref<4096x256xf32, #tpu.memory_space<vmem>>, %arg7: memref<4096x256xf32, #tpu.memory_space<vmem>>) attributes {dimension_semantics = [#tpu.dimension_semantics<arbitrary>], iteration_bounds = array<i64: 16>, scalar_prefetch = 0 : i64, scratch_operands = 2 : i64, tpu.core_type = #tpu.core_type<tc>, window_params = [{pipeline_mode = #tpu.pipeline_mode<synchronous>, transform_indices = @transform_0, window_bounds = array<i64: 4096, 128>}, {pipeline_mode = #tpu.pipeline_mode<synchronous>, transform_indices = @transform_1, window_bounds = array<i64: 4096, 128>}, {pipeline_mode = #tpu.pipeline_mode<synchronous>, transform_indices = @transform_2, window_bounds = array<i64: 128, 128>}, {pipeline_mode = #tpu.pipeline_mode<synchronous>, transform_indices = @transform_3, window_bounds = array<i64: 1, 128>}, {transform_indices = @transform_4, window_bounds = array<i64: 256, 4096>}]} {
    %eq3A = arith.constant 0 : i32
    %eq3A_0 = arith.cmpi eq, %arg0, %eq3A : i32
    %convert_element_type3A = arith.extui %eq3A_0 : i1 to i32
    %cond3A = arith.constant 0 : i32
    %cond3A_1 = arith.cmpi ne, %convert_element_type3A, %cond3A : i32
    scf.if %cond3A_1 {
      %get3A_48 = arith.constant 0 : index
      %get3A_49 = arith.constant 0 : index
      %get3A_50 = vector.load %arg1[%get3A_48, %get3A_49] : memref<4096x128xf32, #tpu.memory_space<vmem>>, vector<4096x128xf32>
      %get3A_51 = arith.constant 0 : index
      %get3A_52 = arith.constant 0 : index
      %get3A_53 = vector.load %arg3[%get3A_51, %get3A_52] : memref<128x128xf32, #tpu.memory_space<vmem>>, vector<128x128xf32>
      %dot_general3A_54 = arith.constant dense<0.000000e+00> : vector<4096x128xf32>
      %dot_general3A_55 = tpu.matmul %get3A_50, %get3A_53, %dot_general3A_54 {dimension_numbers = #tpu.dot_dimension_numbers<[1], [1], [0], [0], [0, 0, 1, 0], [], []>, transpose_lhs_hint = false} : vector<4096x128xf32>, vector<128x128xf32>, vector<4096x128xf32> -> vector<4096x128xf32>
      %get3A_56 = arith.constant 0 : index
      %get3A_57 = arith.constant 0 : index
      %get3A_58 = vector.load %arg4[%get3A_56, %get3A_57] : memref<1x128xf32, #tpu.memory_space<vmem>>, vector<1x128xf32>
      %add3A_59 = vector.broadcast %get3A_58 : vector<1x128xf32> to vector<4096x128xf32>
      %add3A_60 = arith.addf %dot_general3A_55, %add3A_59 : vector<4096x128xf32>
      %mul3A_61 = arith.constant 3.000000e+00 : f32
      %mul3A_62 = vector.broadcast %mul3A_61 : f32 to vector<4096x128xf32>
      %mul3A_63 = arith.mulf %mul3A_62, %add3A_60 : vector<4096x128xf32>
      %tanh3A_64 = math.tanh %mul3A_63 : vector<4096x128xf32>
      %get3A_65 = arith.constant 0 : index
      %get3A_66 = arith.constant 0 : index
      %get3A_67 = vector.load %arg2[%get3A_65, %get3A_66] : memref<4096x128xf32, #tpu.memory_space<vmem>>, vector<4096x128xf32>
      %swap3A = arith.constant 0 : index
      %swap3A_68 = arith.constant 0 : index
      %swap3A_69 = vector.load %arg6[%swap3A, %swap3A_68] : memref<4096x256xf32, #tpu.memory_space<vmem>>, vector<4096x128xf32>
      tpu.vector_store %arg6[%swap3A, %swap3A_68], %tanh3A_64 {strides = array<i32>} : memref<4096x256xf32, #tpu.memory_space<vmem>>, vector<4096x128xf32>,
      %neg3A = arith.constant 0.000000e+00 : f32
      %neg3A_70 = vector.broadcast %neg3A : f32 to vector<4096x128xf32>
      %neg3A_71 = arith.subf %neg3A_70, %get3A_67 : vector<4096x128xf32>
      %swap3A_72 = arith.constant 0 : index
      %swap3A_73 = arith.constant 128 : index
      %swap3A_74 = vector.load %arg6[%swap3A_72, %swap3A_73] : memref<4096x256xf32, #tpu.memory_space<vmem>>, vector<4096x128xf32>
      tpu.vector_store %arg6[%swap3A_72, %swap3A_73], %neg3A_71 {strides = array<i32>} : memref<4096x256xf32, #tpu.memory_space<vmem>>, vector<4096x128xf32>,
      %swap3A_75 = arith.constant 0 : index
      %swap3A_76 = arith.constant 0 : index
      %swap3A_77 = vector.load %arg7[%swap3A_75, %swap3A_76] : memref<4096x256xf32, #tpu.memory_space<vmem>>, vector<4096x128xf32>
      tpu.vector_store %arg7[%swap3A_75, %swap3A_76], %get3A_67 {strides = array<i32>} : memref<4096x256xf32, #tpu.memory_space<vmem>>, vector<4096x128xf32>,
      %swap3A_78 = arith.constant 0 : index
      %swap3A_79 = arith.constant 128 : index
      %swap3A_80 = vector.load %arg7[%swap3A_78, %swap3A_79] : memref<4096x256xf32, #tpu.memory_space<vmem>>, vector<4096x128xf32>
      tpu.vector_store %arg7[%swap3A_78, %swap3A_79], %tanh3A_64 {strides = array<i32>} : memref<4096x256xf32, #tpu.memory_space<vmem>>, vector<4096x128xf32>,
    } else {
    }
    %mul3A = arith.constant 256 : i32
    %mul3A_2 = arith.muli %arg0, %mul3A : i32
    %get3A = arith.index_cast %mul3A_2 : i32 to index
    %get3A_3 = arith.constant 0 : index
    %get3A_4 = vector.load %arg6[%get3A, %get3A_3] : memref<4096x256xf32, #tpu.memory_space<vmem>>, vector<256x256xf32>
    %get3A_5 = arith.constant 0 : index
    %get3A_6 = arith.constant 0 : index
    %get3A_7 = vector.load %arg7[%get3A_5, %get3A_6] : memref<4096x256xf32, #tpu.memory_space<vmem>>, vector<4096x256xf32>
    %dot_general3A = arith.constant dense<0.000000e+00> : vector<256x4096xf32>
    %dot_general3A_8 = tpu.matmul %get3A_4, %get3A_7, %dot_general3A {dimension_numbers = #tpu.dot_dimension_numbers<[1], [1], [0], [0], [0, 0, 1, 0], [], []>, transpose_lhs_hint = false} : vector<256x256xf32>, vector<4096x256xf32>, vector<256x4096xf32> -> vector<256x4096xf32>
    %mul3A_9 = arith.constant 3.000000e+00 : f32
    %mul3A_10 = vector.broadcast %mul3A_9 : f32 to vector<256x4096xf32>
    %mul3A_11 = arith.mulf %mul3A_10, %dot_general3A_8 : vector<256x4096xf32>
    %tanh3A = math.tanh %mul3A_11 : vector<256x4096xf32>
    %max3A = arith.constant 0.000000e+00 : f32
    %max3A_12 = vector.broadcast %max3A : f32 to vector<256x4096xf32>
    %max3A_13 = arith.maximumf %tanh3A, %max3A_12 : vector<256x4096xf32>
    %reduce_max3A = arith.constant dense<0xFF800000> : vector<256xf32>
    %reduce_max3A_14 = vector.multi_reduction <maximumf>, %max3A_13, %reduce_max3A [1] : vector<256x4096xf32> to vector<256xf32>
    %broadcast_in_dim3A = vector.shape_cast %reduce_max3A_14 : vector<256xf32> to vector<256x1xf32>
    %eq3A_15 = vector.broadcast %broadcast_in_dim3A : vector<256x1xf32> to vector<256x4096xf32>
    %eq3A_16 = arith.cmpf oeq, %max3A_13, %eq3A_15 : vector<256x4096xf32>
    %jit3A = arith.constant 1.000000e+00 : f32
    %jit3A_17 = arith.constant 0.000000e+00 : f32
    %broadcast_in_dim3A_18 = vector.broadcast %jit3A : f32 to vector<256x4096xf32>
    %broadcast_in_dim3A_19 = vector.broadcast %jit3A_17 : f32 to vector<256x4096xf32>
    %select_n3A = arith.select %eq3A_16, %broadcast_in_dim3A_18, %broadcast_in_dim3A_19 : vector<256x4096xi1>, vector<256x4096xf32>
    %slice3A = vector.extract_strided_slice %select_n3A {offsets = [0, 0], sizes = [256, 2048], strides = [1, 1]} : vector<256x4096xf32> to vector<256x2048xf32>
    %reduce_sum3A = arith.constant dense<0.000000e+00> : vector<256xf32>
    %reduce_sum3A_20 = vector.multi_reduction <add>, %slice3A, %reduce_sum3A [1] : vector<256x2048xf32> to vector<256xf32>
    %broadcast_in_dim3A_21 = vector.shape_cast %reduce_sum3A_20 : vector<256xf32> to vector<256x1xf32>
    %slice3A_22 = vector.extract_strided_slice %select_n3A {offsets = [0, 2048], sizes = [256, 2048], strides = [1, 1]} : vector<256x4096xf32> to vector<256x2048xf32>
    %reduce_sum3A_23 = arith.constant dense<0.000000e+00> : vector<256xf32>
    %reduce_sum3A_24 = vector.multi_reduction <add>, %slice3A_22, %reduce_sum3A_23 [1] : vector<256x2048xf32> to vector<256xf32>
    %broadcast_in_dim3A_25 = vector.shape_cast %reduce_sum3A_24 : vector<256xf32> to vector<256x1xf32>
    %add3A = arith.addf %broadcast_in_dim3A_21, %broadcast_in_dim3A_25 : vector<256x1xf32>
    %iota3A = tpu.iota {dimensions = array<i32: 1>} : vector<256x4096xi32>
    %lt3A = arith.constant 2.000000e+01 : f32
    %lt3A_26 = vector.broadcast %lt3A : f32 to vector<256x1xf32>
    %lt3A_27 = arith.cmpf olt, %add3A, %lt3A_26 : vector<256x1xf32>
    %reduce_or3A = arith.constant 1.000000e+00 : f32
    %reduce_or3A_28 = arith.constant 0.000000e+00 : f32
    %reduce_or3A_29 = vector.broadcast %reduce_or3A : f32 to vector<256x1xf32>
    %reduce_or3A_30 = vector.broadcast %reduce_or3A_28 : f32 to vector<256x1xf32>
    %reduce_or3A_31 = arith.select %lt3A_27, %reduce_or3A_29, %reduce_or3A_30 : vector<256x1xi1>, vector<256x1xf32>
    %reduce_or3A_32 = vector.shape_cast %reduce_or3A_31 : vector<256x1xf32> to vector<1x256x1xf32>
    %reduce_or3A_33 = arith.constant dense<0xFF800000> : vector<1xf32>
    %reduce_or3A_34 = vector.multi_reduction <maximumf>, %reduce_or3A_32, %reduce_or3A_33 [1, 2] : vector<1x256x1xf32> to vector<1xf32>
    %reduce_or3A_35 = vector.shape_cast %reduce_or3A_34 : vector<1xf32> to vector<1x1x1xf32>
    %reduce_or3A_36 = vector.extract %reduce_or3A_35[0, 0, 0] : f32 from vector<1x1x1xf32>
    %reduce_or3A_37 = arith.constant 0.000000e+00 : f32
    %reduce_or3A_38 = arith.cmpf ogt, %reduce_or3A_36, %reduce_or3A_37 : f32
    %not3A = arith.constant true
    %not3A_39 = arith.xori %reduce_or3A_38, %not3A : i1
    %convert_element_type3A_40 = arith.extui %not3A_39 : i1 to i32
    %cond3A_41 = arith.constant 0 : i32
    %cond3A_42 = arith.cmpi ne, %convert_element_type3A_40, %cond3A_41 : i32
    scf.if %cond3A_42 {
      %broadcast_in_dim3A_48 = arith.constant 2.000000e+01 : f32
      %broadcast_in_dim3A_49 = vector.broadcast %broadcast_in_dim3A_48 : f32 to vector<256x1xf32>
      %le3A = arith.cmpf ole, %broadcast_in_dim3A_49, %broadcast_in_dim3A_21 : vector<256x1xf32>
      %slice3A_50 = vector.extract_strided_slice %select_n3A {offsets = [0, 0], sizes = [256, 2048], strides = [1, 1]} : vector<256x4096xf32> to vector<256x2048xf32>
      %slice3A_51 = vector.extract_strided_slice %select_n3A {offsets = [0, 2048], sizes = [256, 2048], strides = [1, 1]} : vector<256x4096xf32> to vector<256x2048xf32>
      %broadcast_in_dim3A_52 = vector.shape_cast %le3A : vector<256x1xi1> to vector<256x1xi1>
      %broadcast_in_dim3A_53 = vector.broadcast %broadcast_in_dim3A_52 : vector<256x1xi1> to vector<256x2048xi1>
      %select_n3A_54 = arith.select %broadcast_in_dim3A_53, %slice3A_50, %slice3A_51 : vector<256x2048xi1>, vector<256x2048xf32>
      %jit3A_55 = arith.constant 0.000000e+00 : f32
      %jit3A_56 = arith.constant 2.048000e+03 : f32
      %broadcast_in_dim3A_57 = vector.broadcast %jit3A_55 : f32 to vector<256x1xf32>
      %broadcast_in_dim3A_58 = vector.broadcast %jit3A_56 : f32 to vector<256x1xf32>
      %select_n3A_59 = arith.select %le3A, %broadcast_in_dim3A_57, %broadcast_in_dim3A_58 : vector<256x1xi1>, vector<256x1xf32>
      %sub3A = arith.subf %broadcast_in_dim3A_49, %broadcast_in_dim3A_21 : vector<256x1xf32>
      %select_n3A_60 = arith.select %le3A, %broadcast_in_dim3A_49, %sub3A : vector<256x1xi1>, vector<256x1xf32>
      %slice3A_61 = vector.extract_strided_slice %select_n3A_54 {offsets = [0, 0], sizes = [256, 1024], strides = [1, 1]} : vector<256x2048xf32> to vector<256x1024xf32>
      %slice3A_62 = vector.extract_strided_slice %select_n3A_54 {offsets = [0, 1024], sizes = [256, 1024], strides = [1, 1]} : vector<256x2048xf32> to vector<256x1024xf32>
      %reduce_sum3A_63 = arith.constant dense<0.000000e+00> : vector<256xf32>
      %reduce_sum3A_64 = vector.multi_reduction <add>, %slice3A_61, %reduce_sum3A_63 [1] : vector<256x1024xf32> to vector<256xf32>
      %broadcast_in_dim3A_65 = vector.shape_cast %reduce_sum3A_64 : vector<256xf32> to vector<256x1xf32>
      %le3A_66 = arith.cmpf ole, %select_n3A_60, %broadcast_in_dim3A_65 : vector<256x1xf32>
      %broadcast_in_dim3A_67 = vector.shape_cast %le3A_66 : vector<256x1xi1> to vector<256x1xi1>
      %broadcast_in_dim3A_68 = vector.broadcast %broadcast_in_dim3A_67 : vector<256x1xi1> to vector<256x1024xi1>
      %select_n3A_69 = arith.select %broadcast_in_dim3A_68, %slice3A_61, %slice3A_62 : vector<256x1024xi1>, vector<256x1024xf32>
      %add3A_70 = arith.constant 1.024000e+03 : f32
      %add3A_71 = vector.broadcast %add3A_70 : f32 to vector<256x1xf32>
      %add3A_72 = arith.addf %select_n3A_59, %add3A_71 : vector<256x1xf32>
      %select_n3A_73 = arith.select %le3A_66, %select_n3A_59, %add3A_72 : vector<256x1xi1>, vector<256x1xf32>
      %sub3A_74 = arith.subf %select_n3A_60, %broadcast_in_dim3A_65 : vector<256x1xf32>
      %select_n3A_75 = arith.select %le3A_66, %select_n3A_60, %sub3A_74 : vector<256x1xi1>, vector<256x1xf32>
      %slice3A_76 = vector.extract_strided_slice %select_n3A_69 {offsets = [0, 0], sizes = [256, 512], strides = [1, 1]} : vector<256x1024xf32> to vector<256x512xf32>
      %slice3A_77 = vector.extract_strided_slice %select_n3A_69 {offsets = [0, 512], sizes = [256, 512], strides = [1, 1]} : vector<256x1024xf32> to vector<256x512xf32>
      %reduce_sum3A_78 = arith.constant dense<0.000000e+00> : vector<256xf32>
      %reduce_sum3A_79 = vector.multi_reduction <add>, %slice3A_76, %reduce_sum3A_78 [1] : vector<256x512xf32> to vector<256xf32>
      %broadcast_in_dim3A_80 = vector.shape_cast %reduce_sum3A_79 : vector<256xf32> to vector<256x1xf32>
      %le3A_81 = arith.cmpf ole, %select_n3A_75, %broadcast_in_dim3A_80 : vector<256x1xf32>
      %broadcast_in_dim3A_82 = vector.shape_cast %le3A_81 : vector<256x1xi1> to vector<256x1xi1>
      %broadcast_in_dim3A_83 = vector.broadcast %broadcast_in_dim3A_82 : vector<256x1xi1> to vector<256x512xi1>
      %select_n3A_84 = arith.select %broadcast_in_dim3A_83, %slice3A_76, %slice3A_77 : vector<256x512xi1>, vector<256x512xf32>
      %add3A_85 = arith.constant 5.120000e+02 : f32
      %add3A_86 = vector.broadcast %add3A_85 : f32 to vector<256x1xf32>
      %add3A_87 = arith.addf %select_n3A_73, %add3A_86 : vector<256x1xf32>
      %select_n3A_88 = arith.select %le3A_81, %select_n3A_73, %add3A_87 : vector<256x1xi1>, vector<256x1xf32>
      %sub3A_89 = arith.subf %select_n3A_75, %broadcast_in_dim3A_80 : vector<256x1xf32>
      %select_n3A_90 = arith.select %le3A_81, %select_n3A_75, %sub3A_89 : vector<256x1xi1>, vector<256x1xf32>
      %slice3A_91 = vector.extract_strided_slice %select_n3A_84 {offsets = [0, 0], sizes = [256, 256], strides = [1, 1]} : vector<256x512xf32> to vector<256x256xf32>
      %slice3A_92 = vector.extract_strided_slice %select_n3A_84 {offsets = [0, 256], sizes = [256, 256], strides = [1, 1]} : vector<256x512xf32> to vector<256x256xf32>
      %reduce_sum3A_93 = arith.constant dense<0.000000e+00> : vector<256xf32>
      %reduce_sum3A_94 = vector.multi_reduction <add>, %slice3A_91, %reduce_sum3A_93 [1] : vector<256x256xf32> to vector<256xf32>
      %broadcast_in_dim3A_95 = vector.shape_cast %reduce_sum3A_94 : vector<256xf32> to vector<256x1xf32>
      %le3A_96 = arith.cmpf ole, %select_n3A_90, %broadcast_in_dim3A_95 : vector<256x1xf32>
      %broadcast_in_dim3A_97 = vector.shape_cast %le3A_96 : vector<256x1xi1> to vector<256x1xi1>
      %broadcast_in_dim3A_98 = vector.broadcast %broadcast_in_dim3A_97 : vector<256x1xi1> to vector<256x256xi1>
      %select_n3A_99 = arith.select %broadcast_in_dim3A_98, %slice3A_91, %slice3A_92 : vector<256x256xi1>, vector<256x256xf32>
      %add3A_100 = arith.constant 2.560000e+02 : f32
      %add3A_101 = vector.broadcast %add3A_100 : f32 to vector<256x1xf32>
      %add3A_102 = arith.addf %select_n3A_88, %add3A_101 : vector<256x1xf32>
      %select_n3A_103 = arith.select %le3A_96, %select_n3A_88, %add3A_102 : vector<256x1xi1>, vector<256x1xf32>
      %sub3A_104 = arith.subf %select_n3A_90, %broadcast_in_dim3A_95 : vector<256x1xf32>
      %select_n3A_105 = arith.select %le3A_96, %select_n3A_90, %sub3A_104 : vector<256x1xi1>, vector<256x1xf32>
      %slice3A_106 = vector.extract_strided_slice %select_n3A_99 {offsets = [0, 0], sizes = [256, 128], strides = [1, 1]} : vector<256x256xf32> to vector<256x128xf32>
      %slice3A_107 = vector.extract_strided_slice %select_n3A_99 {offsets = [0, 128], sizes = [256, 128], strides = [1, 1]} : vector<256x256xf32> to vector<256x128xf32>
      %reduce_sum3A_108 = arith.constant dense<0.000000e+00> : vector<256xf32>
      %reduce_sum3A_109 = vector.multi_reduction <add>, %slice3A_106, %reduce_sum3A_108 [1] : vector<256x128xf32> to vector<256xf32>
      %broadcast_in_dim3A_110 = vector.shape_cast %reduce_sum3A_109 : vector<256xf32> to vector<256x1xf32>
      %le3A_111 = arith.cmpf ole, %select_n3A_105, %broadcast_in_dim3A_110 : vector<256x1xf32>
      %broadcast_in_dim3A_112 = vector.shape_cast %le3A_111 : vector<256x1xi1> to vector<256x1xi1>
      %broadcast_in_dim3A_113 = vector.broadcast %broadcast_in_dim3A_112 : vector<256x1xi1> to vector<256x128xi1>
      %select_n3A_114 = arith.select %broadcast_in_dim3A_113, %slice3A_106, %slice3A_107 : vector<256x128xi1>, vector<256x128xf32>
      %add3A_115 = arith.constant 1.280000e+02 : f32
      %add3A_116 = vector.broadcast %add3A_115 : f32 to vector<256x1xf32>
      %add3A_117 = arith.addf %select_n3A_103, %add3A_116 : vector<256x1xf32>
      %select_n3A_118 = arith.select %le3A_111, %select_n3A_103, %add3A_117 : vector<256x1xi1>, vector<256x1xf32>
      %sub3A_119 = arith.subf %select_n3A_105, %broadcast_in_dim3A_110 : vector<256x1xf32>
      %select_n3A_120 = arith.select %le3A_111, %select_n3A_105, %sub3A_119 : vector<256x1xi1>, vector<256x1xf32>
      %slice3A_121 = vector.extract_strided_slice %select_n3A_114 {offsets = [0, 0], sizes = [256, 64], strides = [1, 1]} : vector<256x128xf32> to vector<256x64xf32>
      %slice3A_122 = vector.extract_strided_slice %select_n3A_114 {offsets = [0, 64], sizes = [256, 64], strides = [1, 1]} : vector<256x128xf32> to vector<256x64xf32>
      %reduce_sum3A_123 = arith.constant dense<0.000000e+00> : vector<256xf32>
      %reduce_sum3A_124 = vector.multi_reduction <add>, %slice3A_121, %reduce_sum3A_123 [1] : vector<256x64xf32> to vector<256xf32>
      %broadcast_in_dim3A_125 = vector.shape_cast %reduce_sum3A_124 : vector<256xf32> to vector<256x1xf32>
      %le3A_126 = arith.cmpf ole, %select_n3A_120, %broadcast_in_dim3A_125 : vector<256x1xf32>
      %broadcast_in_dim3A_127 = vector.shape_cast %le3A_126 : vector<256x1xi1> to vector<256x1xi1>
      %broadcast_in_dim3A_128 = vector.broadcast %broadcast_in_dim3A_127 : vector<256x1xi1> to vector<256x64xi1>
      %select_n3A_129 = arith.select %broadcast_in_dim3A_128, %slice3A_121, %slice3A_122 : vector<256x64xi1>, vector<256x64xf32>
      %add3A_130 = arith.constant 6.400000e+01 : f32
      %add3A_131 = vector.broadcast %add3A_130 : f32 to vector<256x1xf32>
      %add3A_132 = arith.addf %select_n3A_118, %add3A_131 : vector<256x1xf32>
      %select_n3A_133 = arith.select %le3A_126, %select_n3A_118, %add3A_132 : vector<256x1xi1>, vector<256x1xf32>
      %sub3A_134 = arith.subf %select_n3A_120, %broadcast_in_dim3A_125 : vector<256x1xf32>
      %select_n3A_135 = arith.select %le3A_126, %select_n3A_120, %sub3A_134 : vector<256x1xi1>, vector<256x1xf32>
      %slice3A_136 = vector.extract_strided_slice %select_n3A_129 {offsets = [0, 0], sizes = [256, 32], strides = [1, 1]} : vector<256x64xf32> to vector<256x32xf32>
      %slice3A_137 = vector.extract_strided_slice %select_n3A_129 {offsets = [0, 32], sizes = [256, 32], strides = [1, 1]} : vector<256x64xf32> to vector<256x32xf32>
      %reduce_sum3A_138 = arith.constant dense<0.000000e+00> : vector<256xf32>
      %reduce_sum3A_139 = vector.multi_reduction <add>, %slice3A_136, %reduce_sum3A_138 [1] : vector<256x32xf32> to vector<256xf32>
      %broadcast_in_dim3A_140 = vector.shape_cast %reduce_sum3A_139 : vector<256xf32> to vector<256x1xf32>
      %le3A_141 = arith.cmpf ole, %select_n3A_135, %broadcast_in_dim3A_140 : vector<256x1xf32>
      %broadcast_in_dim3A_142 = vector.shape_cast %le3A_141 : vector<256x1xi1> to vector<256x1xi1>
      %broadcast_in_dim3A_143 = vector.broadcast %broadcast_in_dim3A_142 : vector<256x1xi1> to vector<256x32xi1>
      %select_n3A_144 = arith.select %broadcast_in_dim3A_143, %slice3A_136, %slice3A_137 : vector<256x32xi1>, vector<256x32xf32>
      %add3A_145 = arith.constant 3.200000e+01 : f32
      %add3A_146 = vector.broadcast %add3A_145 : f32 to vector<256x1xf32>
      %add3A_147 = arith.addf %select_n3A_133, %add3A_146 : vector<256x1xf32>
      %select_n3A_148 = arith.select %le3A_141, %select_n3A_133, %add3A_147 : vector<256x1xi1>, vector<256x1xf32>
      %sub3A_149 = arith.subf %select_n3A_135, %broadcast_in_dim3A_140 : vector<256x1xf32>
      %select_n3A_150 = arith.select %le3A_141, %select_n3A_135, %sub3A_149 : vector<256x1xi1>, vector<256x1xf32>
      %slice3A_151 = vector.extract_strided_slice %select_n3A_144 {offsets = [0, 0], sizes = [256, 16], strides = [1, 1]} : vector<256x32xf32> to vector<256x16xf32>
      %slice3A_152 = vector.extract_strided_slice %select_n3A_144 {offsets = [0, 16], sizes = [256, 16], strides = [1, 1]} : vector<256x32xf32> to vector<256x16xf32>
      %reduce_sum3A_153 = arith.constant dense<0.000000e+00> : vector<256xf32>
      %reduce_sum3A_154 = vector.multi_reduction <add>, %slice3A_151, %reduce_sum3A_153 [1] : vector<256x16xf32> to vector<256xf32>
      %broadcast_in_dim3A_155 = vector.shape_cast %reduce_sum3A_154 : vector<256xf32> to vector<256x1xf32>
      %le3A_156 = arith.cmpf ole, %select_n3A_150, %broadcast_in_dim3A_155 : vector<256x1xf32>
      %broadcast_in_dim3A_157 = vector.shape_cast %le3A_156 : vector<256x1xi1> to vector<256x1xi1>
      %broadcast_in_dim3A_158 = vector.broadcast %broadcast_in_dim3A_157 : vector<256x1xi1> to vector<256x16xi1>
      %select_n3A_159 = arith.select %broadcast_in_dim3A_158, %slice3A_151, %slice3A_152 : vector<256x16xi1>, vector<256x16xf32>
      %add3A_160 = arith.constant 1.600000e+01 : f32
      %add3A_161 = vector.broadcast %add3A_160 : f32 to vector<256x1xf32>
      %add3A_162 = arith.addf %select_n3A_148, %add3A_161 : vector<256x1xf32>
      %select_n3A_163 = arith.select %le3A_156, %select_n3A_148, %add3A_162 : vector<256x1xi1>, vector<256x1xf32>
      %sub3A_164 = arith.subf %select_n3A_150, %broadcast_in_dim3A_155 : vector<256x1xf32>
      %select_n3A_165 = arith.select %le3A_156, %select_n3A_150, %sub3A_164 : vector<256x1xi1>, vector<256x1xf32>
      %slice3A_166 = vector.extract_strided_slice %select_n3A_159 {offsets = [0, 0], sizes = [256, 8], strides = [1, 1]} : vector<256x16xf32> to vector<256x8xf32>
      %slice3A_167 = vector.extract_strided_slice %select_n3A_159 {offsets = [0, 8], sizes = [256, 8], strides = [1, 1]} : vector<256x16xf32> to vector<256x8xf32>
      %reduce_sum3A_168 = arith.constant dense<0.000000e+00> : vector<256xf32>
      %reduce_sum3A_169 = vector.multi_reduction <add>, %slice3A_166, %reduce_sum3A_168 [1] : vector<256x8xf32> to vector<256xf32>
      %broadcast_in_dim3A_170 = vector.shape_cast %reduce_sum3A_169 : vector<256xf32> to vector<256x1xf32>
      %le3A_171 = arith.cmpf ole, %select_n3A_165, %broadcast_in_dim3A_170 : vector<256x1xf32>
      %broadcast_in_dim3A_172 = vector.shape_cast %le3A_171 : vector<256x1xi1> to vector<256x1xi1>
      %broadcast_in_dim3A_173 = vector.broadcast %broadcast_in_dim3A_172 : vector<256x1xi1> to vector<256x8xi1>
      %select_n3A_174 = arith.select %broadcast_in_dim3A_173, %slice3A_166, %slice3A_167 : vector<256x8xi1>, vector<256x8xf32>
      %add3A_175 = arith.constant 8.000000e+00 : f32
      %add3A_176 = vector.broadcast %add3A_175 : f32 to vector<256x1xf32>
      %add3A_177 = arith.addf %select_n3A_163, %add3A_176 : vector<256x1xf32>
      %select_n3A_178 = arith.select %le3A_171, %select_n3A_163, %add3A_177 : vector<256x1xi1>, vector<256x1xf32>
      %sub3A_179 = arith.subf %select_n3A_165, %broadcast_in_dim3A_170 : vector<256x1xf32>
      %select_n3A_180 = arith.select %le3A_171, %select_n3A_165, %sub3A_179 : vector<256x1xi1>, vector<256x1xf32>
      %slice3A_181 = vector.extract_strided_slice %select_n3A_174 {offsets = [0, 0], sizes = [256, 4], strides = [1, 1]} : vector<256x8xf32> to vector<256x4xf32>
      %slice3A_182 = vector.extract_strided_slice %select_n3A_174 {offsets = [0, 4], sizes = [256, 4], strides = [1, 1]} : vector<256x8xf32> to vector<256x4xf32>
      %reduce_sum3A_183 = arith.constant dense<0.000000e+00> : vector<256xf32>
      %reduce_sum3A_184 = vector.multi_reduction <add>, %slice3A_181, %reduce_sum3A_183 [1] : vector<256x4xf32> to vector<256xf32>
      %broadcast_in_dim3A_185 = vector.shape_cast %reduce_sum3A_184 : vector<256xf32> to vector<256x1xf32>
      %le3A_186 = arith.cmpf ole, %select_n3A_180, %broadcast_in_dim3A_185 : vector<256x1xf32>
      %broadcast_in_dim3A_187 = vector.shape_cast %le3A_186 : vector<256x1xi1> to vector<256x1xi1>
      %broadcast_in_dim3A_188 = vector.broadcast %broadcast_in_dim3A_187 : vector<256x1xi1> to vector<256x4xi1>
      %select_n3A_189 = arith.select %broadcast_in_dim3A_188, %slice3A_181, %slice3A_182 : vector<256x4xi1>, vector<256x4xf32>
      %add3A_190 = arith.constant 4.000000e+00 : f32
      %add3A_191 = vector.broadcast %add3A_190 : f32 to vector<256x1xf32>
      %add3A_192 = arith.addf %select_n3A_178, %add3A_191 : vector<256x1xf32>
      %select_n3A_193 = arith.select %le3A_186, %select_n3A_178, %add3A_192 : vector<256x1xi1>, vector<256x1xf32>
      %sub3A_194 = arith.subf %select_n3A_180, %broadcast_in_dim3A_185 : vector<256x1xf32>
      %select_n3A_195 = arith.select %le3A_186, %select_n3A_180, %sub3A_194 : vector<256x1xi1>, vector<256x1xf32>
      %slice3A_196 = vector.extract_strided_slice %select_n3A_189 {offsets = [0, 0], sizes = [256, 2], strides = [1, 1]} : vector<256x4xf32> to vector<256x2xf32>
      %slice3A_197 = vector.extract_strided_slice %select_n3A_189 {offsets = [0, 2], sizes = [256, 2], strides = [1, 1]} : vector<256x4xf32> to vector<256x2xf32>
      %reduce_sum3A_198 = arith.constant dense<0.000000e+00> : vector<256xf32>
      %reduce_sum3A_199 = vector.multi_reduction <add>, %slice3A_196, %reduce_sum3A_198 [1] : vector<256x2xf32> to vector<256xf32>
      %broadcast_in_dim3A_200 = vector.shape_cast %reduce_sum3A_199 : vector<256xf32> to vector<256x1xf32>
      %le3A_201 = arith.cmpf ole, %select_n3A_195, %broadcast_in_dim3A_200 : vector<256x1xf32>
      %broadcast_in_dim3A_202 = vector.shape_cast %le3A_201 : vector<256x1xi1> to vector<256x1xi1>
      %broadcast_in_dim3A_203 = vector.broadcast %broadcast_in_dim3A_202 : vector<256x1xi1> to vector<256x2xi1>
      %select_n3A_204 = arith.select %broadcast_in_dim3A_203, %slice3A_196, %slice3A_197 : vector<256x2xi1>, vector<256x2xf32>
      %add3A_205 = arith.constant 2.000000e+00 : f32
      %add3A_206 = vector.broadcast %add3A_205 : f32 to vector<256x1xf32>
      %add3A_207 = arith.addf %select_n3A_193, %add3A_206 : vector<256x1xf32>
      %select_n3A_208 = arith.select %le3A_201, %select_n3A_193, %add3A_207 : vector<256x1xi1>, vector<256x1xf32>
      %sub3A_209 = arith.subf %select_n3A_195, %broadcast_in_dim3A_200 : vector<256x1xf32>
      %select_n3A_210 = arith.select %le3A_201, %select_n3A_195, %sub3A_209 : vector<256x1xi1>, vector<256x1xf32>
      %slice3A_211 = vector.extract_strided_slice %select_n3A_204 {offsets = [0, 0], sizes = [256, 1], strides = [1, 1]} : vector<256x2xf32> to vector<256x1xf32>
      %reduce_sum3A_212 = arith.constant dense<0.000000e+00> : vector<256xf32>
      %reduce_sum3A_213 = vector.multi_reduction <add>, %slice3A_211, %reduce_sum3A_212 [1] : vector<256x1xf32> to vector<256xf32>
      %broadcast_in_dim3A_214 = vector.shape_cast %reduce_sum3A_213 : vector<256xf32> to vector<256x1xf32>
      %le3A_215 = arith.cmpf ole, %select_n3A_210, %broadcast_in_dim3A_214 : vector<256x1xf32>
      %add3A_216 = arith.constant 1.000000e+00 : f32
      %add3A_217 = vector.broadcast %add3A_216 : f32 to vector<256x1xf32>
      %add3A_218 = arith.addf %select_n3A_208, %add3A_217 : vector<256x1xf32>
      %select_n3A_219 = arith.select %le3A_215, %select_n3A_208, %add3A_218 : vector<256x1xi1>, vector<256x1xf32>
      %convert_element_type3A_220 = arith.fptosi %select_n3A_219 : vector<256x1xf32> to vector<256x1xi32>
      %le3A_221 = vector.broadcast %convert_element_type3A_220 : vector<256x1xi32> to vector<256x4096xi32>
      %le3A_222 = arith.cmpi sle, %iota3A, %le3A_221 : vector<256x4096xi32>
      %and3A = arith.andi %eq3A_16, %le3A_222 : vector<256x4096xi1>
      %jit3A_223 = arith.constant 0.000000e+00 : f32
      %broadcast_in_dim3A_224 = vector.shape_cast %broadcast_in_dim3A : vector<256x1xf32> to vector<256x1xf32>
      %broadcast_in_dim3A_225 = vector.broadcast %broadcast_in_dim3A_224 : vector<256x1xf32> to vector<256x4096xf32>
      %broadcast_in_dim3A_226 = vector.broadcast %jit3A_223 : f32 to vector<256x4096xf32>
      %select_n3A_227 = arith.select %and3A, %broadcast_in_dim3A_225, %broadcast_in_dim3A_226 : vector<256x4096xi1>, vector<256x4096xf32>
      %swap3A = arith.constant 0 : index
      %swap3A_228 = arith.constant 0 : index
      %swap3A_229 = vector.load %arg5[%swap3A, %swap3A_228] : memref<256x4096xf32, #tpu.memory_space<vmem>>, vector<256x4096xf32>
      tpu.vector_store %arg5[%swap3A, %swap3A_228], %select_n3A_227 {strides = array<i32>} : memref<256x4096xf32, #tpu.memory_space<vmem>>, vector<256x4096xf32>,
    } else {
    }
    %not3A_43 = arith.constant true
    %not3A_44 = arith.xori %not3A_39, %not3A_43 : i1
    %convert_element_type3A_45 = arith.extui %not3A_44 : i1 to i32
    %cond3A_46 = arith.constant 0 : i32
    %cond3A_47 = arith.cmpi ne, %convert_element_type3A_45, %cond3A_46 : i32
    scf.if %cond3A_47 {
      %while3A:3 = scf.while (%while3A_242 = %broadcast_in_dim3A, %while3A_243 = %add3A, %while3A_244 = %add3A) : (vector<256x1xf32>, vector<256x1xf32>, vector<256x1xf32>) -> (vector<256x1xf32>, vector<256x1xf32>, vector<256x1xf32>) {
        %lt3A_245 = arith.constant 2.000000e+01 : f32
        %lt3A_246 = vector.broadcast %lt3A_245 : f32 to vector<256x1xf32>
        %lt3A_247 = arith.cmpf olt, %while3A_243, %lt3A_246 : vector<256x1xf32>
        %reduce_or3A_248 = arith.constant 1.000000e+00 : f32
        %reduce_or3A_249 = arith.constant 0.000000e+00 : f32
        %reduce_or3A_250 = vector.broadcast %reduce_or3A_248 : f32 to vector<256x1xf32>
        %reduce_or3A_251 = vector.broadcast %reduce_or3A_249 : f32 to vector<256x1xf32>
        %reduce_or3A_252 = arith.select %lt3A_247, %reduce_or3A_250, %reduce_or3A_251 : vector<256x1xi1>, vector<256x1xf32>
        %reduce_or3A_253 = vector.shape_cast %reduce_or3A_252 : vector<256x1xf32> to vector<1x256x1xf32>
        %reduce_or3A_254 = arith.constant dense<0xFF800000> : vector<1xf32>
        %reduce_or3A_255 = vector.multi_reduction <maximumf>, %reduce_or3A_253, %reduce_or3A_254 [1, 2] : vector<1x256x1xf32> to vector<1xf32>
        %reduce_or3A_256 = vector.shape_cast %reduce_or3A_255 : vector<1xf32> to vector<1x1x1xf32>
        %reduce_or3A_257 = vector.extract %reduce_or3A_256[0, 0, 0] : f32 from vector<1x1x1xf32>
        %reduce_or3A_258 = arith.constant 0.000000e+00 : f32
        %reduce_or3A_259 = arith.cmpf ogt, %reduce_or3A_257, %reduce_or3A_258 : f32
        scf.condition(%reduce_or3A_259) %while3A_242, %while3A_243, %while3A_244 : vector<256x1xf32>, vector<256x1xf32>, vector<256x1xf32>
      } do {
      ^bb0(%while3A_242: vector<256x1xf32>, %while3A_243: vector<256x1xf32>, %while3A_244: vector<256x1xf32>):
        %lt3A_245 = arith.constant 2.000000e+01 : f32
        %lt3A_246 = vector.broadcast %lt3A_245 : f32 to vector<256x1xf32>
        %lt3A_247 = arith.cmpf olt, %while3A_243, %lt3A_246 : vector<256x1xf32>
        %lt3A_248 = vector.broadcast %while3A_242 : vector<256x1xf32> to vector<256x4096xf32>
        %lt3A_249 = arith.cmpf olt, %max3A_13, %lt3A_248 : vector<256x4096xf32>
        %jit3A_250 = arith.constant -1.000000e+00 : f32
        %broadcast_in_dim3A_251 = vector.broadcast %jit3A_250 : f32 to vector<256x4096xf32>
        %select_n3A_252 = arith.select %lt3A_249, %max3A_13, %broadcast_in_dim3A_251 : vector<256x4096xi1>, vector<256x4096xf32>
        %reduce_max3A_253 = arith.constant dense<0xFF800000> : vector<256xf32>
        %reduce_max3A_254 = vector.multi_reduction <maximumf>, %select_n3A_252, %reduce_max3A_253 [1] : vector<256x4096xf32> to vector<256xf32>
        %broadcast_in_dim3A_255 = vector.shape_cast %reduce_max3A_254 : vector<256xf32> to vector<256x1xf32>
        %eq3A_256 = vector.broadcast %broadcast_in_dim3A_255 : vector<256x1xf32> to vector<256x4096xf32>
        %eq3A_257 = arith.cmpf oeq, %max3A_13, %eq3A_256 : vector<256x4096xf32>
        %jit3A_258 = arith.constant 1.000000e+00 : f32
        %jit3A_259 = arith.constant 0.000000e+00 : f32
        %broadcast_in_dim3A_260 = vector.broadcast %jit3A_258 : f32 to vector<256x4096xf32>
        %broadcast_in_dim3A_261 = vector.broadcast %jit3A_259 : f32 to vector<256x4096xf32>
        %select_n3A_262 = arith.select %eq3A_257, %broadcast_in_dim3A_260, %broadcast_in_dim3A_261 : vector<256x4096xi1>, vector<256x4096xf32>
        %reduce_sum3A_263 = arith.constant dense<0.000000e+00> : vector<256xf32>
        %reduce_sum3A_264 = vector.multi_reduction <add>, %select_n3A_262, %reduce_sum3A_263 [1] : vector<256x4096xf32> to vector<256xf32>
        %broadcast_in_dim3A_265 = vector.shape_cast %reduce_sum3A_264 : vector<256xf32> to vector<256x1xf32>
        %select_n3A_266 = arith.select %lt3A_247, %broadcast_in_dim3A_255, %while3A_242 : vector<256x1xi1>, vector<256x1xf32>
        %add3A_267 = arith.addf %while3A_243, %broadcast_in_dim3A_265 : vector<256x1xf32>
        %select_n3A_268 = arith.select %lt3A_247, %add3A_267, %while3A_243 : vector<256x1xi1>, vector<256x1xf32>
        %select_n3A_269 = arith.select %lt3A_247, %broadcast_in_dim3A_265, %while3A_244 : vector<256x1xi1>, vector<256x1xf32>
        scf.yield %select_n3A_266, %select_n3A_268, %select_n3A_269 : vector<256x1xf32>, vector<256x1xf32>, vector<256x1xf32>
      }
      %eq3A_48 = vector.broadcast %while3A#0 : vector<256x1xf32> to vector<256x4096xf32>
      %eq3A_49 = arith.cmpf oeq, %max3A_13, %eq3A_48 : vector<256x4096xf32>
      %jit3A_50 = arith.constant 1.000000e+00 : f32
      %jit3A_51 = arith.constant 0.000000e+00 : f32
      %broadcast_in_dim3A_52 = vector.broadcast %jit3A_50 : f32 to vector<256x4096xf32>
      %broadcast_in_dim3A_53 = vector.broadcast %jit3A_51 : f32 to vector<256x4096xf32>
      %select_n3A_54 = arith.select %eq3A_49, %broadcast_in_dim3A_52, %broadcast_in_dim3A_53 : vector<256x4096xi1>, vector<256x4096xf32>
      %sub3A = arith.subf %while3A#1, %while3A#2 : vector<256x1xf32>
      %sub3A_55 = arith.constant 2.000000e+01 : f32
      %sub3A_56 = vector.broadcast %sub3A_55 : f32 to vector<256x1xf32>
      %sub3A_57 = arith.subf %sub3A_56, %sub3A : vector<256x1xf32>
      %slice3A_58 = vector.extract_strided_slice %select_n3A_54 {offsets = [0, 0], sizes = [256, 2048], strides = [1, 1]} : vector<256x4096xf32> to vector<256x2048xf32>
      %reduce_sum3A_59 = arith.constant dense<0.000000e+00> : vector<256xf32>
      %reduce_sum3A_60 = vector.multi_reduction <add>, %slice3A_58, %reduce_sum3A_59 [1] : vector<256x2048xf32> to vector<256xf32>
      %broadcast_in_dim3A_61 = vector.shape_cast %reduce_sum3A_60 : vector<256xf32> to vector<256x1xf32>
      %le3A = arith.cmpf ole, %sub3A_57, %broadcast_in_dim3A_61 : vector<256x1xf32>
      %slice3A_62 = vector.extract_strided_slice %select_n3A_54 {offsets = [0, 0], sizes = [256, 2048], strides = [1, 1]} : vector<256x4096xf32> to vector<256x2048xf32>
      %slice3A_63 = vector.extract_strided_slice %select_n3A_54 {offsets = [0, 2048], sizes = [256, 2048], strides = [1, 1]} : vector<256x4096xf32> to vector<256x2048xf32>
      %broadcast_in_dim3A_64 = vector.shape_cast %le3A : vector<256x1xi1> to vector<256x1xi1>
      %broadcast_in_dim3A_65 = vector.broadcast %broadcast_in_dim3A_64 : vector<256x1xi1> to vector<256x2048xi1>
      %select_n3A_66 = arith.select %broadcast_in_dim3A_65, %slice3A_62, %slice3A_63 : vector<256x2048xi1>, vector<256x2048xf32>
      %jit3A_67 = arith.constant 0.000000e+00 : f32
      %jit3A_68 = arith.constant 2.048000e+03 : f32
      %broadcast_in_dim3A_69 = vector.broadcast %jit3A_67 : f32 to vector<256x1xf32>
      %broadcast_in_dim3A_70 = vector.broadcast %jit3A_68 : f32 to vector<256x1xf32>
      %select_n3A_71 = arith.select %le3A, %broadcast_in_dim3A_69, %broadcast_in_dim3A_70 : vector<256x1xi1>, vector<256x1xf32>
      %sub3A_72 = arith.subf %sub3A_57, %broadcast_in_dim3A_61 : vector<256x1xf32>
      %select_n3A_73 = arith.select %le3A, %sub3A_57, %sub3A_72 : vector<256x1xi1>, vector<256x1xf32>
      %slice3A_74 = vector.extract_strided_slice %select_n3A_66 {offsets = [0, 0], sizes = [256, 1024], strides = [1, 1]} : vector<256x2048xf32> to vector<256x1024xf32>
      %slice3A_75 = vector.extract_strided_slice %select_n3A_66 {offsets = [0, 1024], sizes = [256, 1024], strides = [1, 1]} : vector<256x2048xf32> to vector<256x1024xf32>
      %reduce_sum3A_76 = arith.constant dense<0.000000e+00> : vector<256xf32>
      %reduce_sum3A_77 = vector.multi_reduction <add>, %slice3A_74, %reduce_sum3A_76 [1] : vector<256x1024xf32> to vector<256xf32>
      %broadcast_in_dim3A_78 = vector.shape_cast %reduce_sum3A_77 : vector<256xf32> to vector<256x1xf32>
      %le3A_79 = arith.cmpf ole, %select_n3A_73, %broadcast_in_dim3A_78 : vector<256x1xf32>
      %broadcast_in_dim3A_80 = vector.shape_cast %le3A_79 : vector<256x1xi1> to vector<256x1xi1>
      %broadcast_in_dim3A_81 = vector.broadcast %broadcast_in_dim3A_80 : vector<256x1xi1> to vector<256x1024xi1>
      %select_n3A_82 = arith.select %broadcast_in_dim3A_81, %slice3A_74, %slice3A_75 : vector<256x1024xi1>, vector<256x1024xf32>
      %add3A_83 = arith.constant 1.024000e+03 : f32
      %add3A_84 = vector.broadcast %add3A_83 : f32 to vector<256x1xf32>
      %add3A_85 = arith.addf %select_n3A_71, %add3A_84 : vector<256x1xf32>
      %select_n3A_86 = arith.select %le3A_79, %select_n3A_71, %add3A_85 : vector<256x1xi1>, vector<256x1xf32>
      %sub3A_87 = arith.subf %select_n3A_73, %broadcast_in_dim3A_78 : vector<256x1xf32>
      %select_n3A_88 = arith.select %le3A_79, %select_n3A_73, %sub3A_87 : vector<256x1xi1>, vector<256x1xf32>
      %slice3A_89 = vector.extract_strided_slice %select_n3A_82 {offsets = [0, 0], sizes = [256, 512], strides = [1, 1]} : vector<256x1024xf32> to vector<256x512xf32>
      %slice3A_90 = vector.extract_strided_slice %select_n3A_82 {offsets = [0, 512], sizes = [256, 512], strides = [1, 1]} : vector<256x1024xf32> to vector<256x512xf32>
      %reduce_sum3A_91 = arith.constant dense<0.000000e+00> : vector<256xf32>
      %reduce_sum3A_92 = vector.multi_reduction <add>, %slice3A_89, %reduce_sum3A_91 [1] : vector<256x512xf32> to vector<256xf32>
      %broadcast_in_dim3A_93 = vector.shape_cast %reduce_sum3A_92 : vector<256xf32> to vector<256x1xf32>
      %le3A_94 = arith.cmpf ole, %select_n3A_88, %broadcast_in_dim3A_93 : vector<256x1xf32>
      %broadcast_in_dim3A_95 = vector.shape_cast %le3A_94 : vector<256x1xi1> to vector<256x1xi1>
      %broadcast_in_dim3A_96 = vector.broadcast %broadcast_in_dim3A_95 : vector<256x1xi1> to vector<256x512xi1>
      %select_n3A_97 = arith.select %broadcast_in_dim3A_96, %slice3A_89, %slice3A_90 : vector<256x512xi1>, vector<256x512xf32>
      %add3A_98 = arith.constant 5.120000e+02 : f32
      %add3A_99 = vector.broadcast %add3A_98 : f32 to vector<256x1xf32>
      %add3A_100 = arith.addf %select_n3A_86, %add3A_99 : vector<256x1xf32>
      %select_n3A_101 = arith.select %le3A_94, %select_n3A_86, %add3A_100 : vector<256x1xi1>, vector<256x1xf32>
      %sub3A_102 = arith.subf %select_n3A_88, %broadcast_in_dim3A_93 : vector<256x1xf32>
      %select_n3A_103 = arith.select %le3A_94, %select_n3A_88, %sub3A_102 : vector<256x1xi1>, vector<256x1xf32>
      %slice3A_104 = vector.extract_strided_slice %select_n3A_97 {offsets = [0, 0], sizes = [256, 256], strides = [1, 1]} : vector<256x512xf32> to vector<256x256xf32>
      %slice3A_105 = vector.extract_strided_slice %select_n3A_97 {offsets = [0, 256], sizes = [256, 256], strides = [1, 1]} : vector<256x512xf32> to vector<256x256xf32>
      %reduce_sum3A_106 = arith.constant dense<0.000000e+00> : vector<256xf32>
      %reduce_sum3A_107 = vector.multi_reduction <add>, %slice3A_104, %reduce_sum3A_106 [1] : vector<256x256xf32> to vector<256xf32>
      %broadcast_in_dim3A_108 = vector.shape_cast %reduce_sum3A_107 : vector<256xf32> to vector<256x1xf32>
      %le3A_109 = arith.cmpf ole, %select_n3A_103, %broadcast_in_dim3A_108 : vector<256x1xf32>
      %broadcast_in_dim3A_110 = vector.shape_cast %le3A_109 : vector<256x1xi1> to vector<256x1xi1>
      %broadcast_in_dim3A_111 = vector.broadcast %broadcast_in_dim3A_110 : vector<256x1xi1> to vector<256x256xi1>
      %select_n3A_112 = arith.select %broadcast_in_dim3A_111, %slice3A_104, %slice3A_105 : vector<256x256xi1>, vector<256x256xf32>
      %add3A_113 = arith.constant 2.560000e+02 : f32
      %add3A_114 = vector.broadcast %add3A_113 : f32 to vector<256x1xf32>
      %add3A_115 = arith.addf %select_n3A_101, %add3A_114 : vector<256x1xf32>
      %select_n3A_116 = arith.select %le3A_109, %select_n3A_101, %add3A_115 : vector<256x1xi1>, vector<256x1xf32>
      %sub3A_117 = arith.subf %select_n3A_103, %broadcast_in_dim3A_108 : vector<256x1xf32>
      %select_n3A_118 = arith.select %le3A_109, %select_n3A_103, %sub3A_117 : vector<256x1xi1>, vector<256x1xf32>
      %slice3A_119 = vector.extract_strided_slice %select_n3A_112 {offsets = [0, 0], sizes = [256, 128], strides = [1, 1]} : vector<256x256xf32> to vector<256x128xf32>
      %slice3A_120 = vector.extract_strided_slice %select_n3A_112 {offsets = [0, 128], sizes = [256, 128], strides = [1, 1]} : vector<256x256xf32> to vector<256x128xf32>
      %reduce_sum3A_121 = arith.constant dense<0.000000e+00> : vector<256xf32>
      %reduce_sum3A_122 = vector.multi_reduction <add>, %slice3A_119, %reduce_sum3A_121 [1] : vector<256x128xf32> to vector<256xf32>
      %broadcast_in_dim3A_123 = vector.shape_cast %reduce_sum3A_122 : vector<256xf32> to vector<256x1xf32>
      %le3A_124 = arith.cmpf ole, %select_n3A_118, %broadcast_in_dim3A_123 : vector<256x1xf32>
      %broadcast_in_dim3A_125 = vector.shape_cast %le3A_124 : vector<256x1xi1> to vector<256x1xi1>
      %broadcast_in_dim3A_126 = vector.broadcast %broadcast_in_dim3A_125 : vector<256x1xi1> to vector<256x128xi1>
      %select_n3A_127 = arith.select %broadcast_in_dim3A_126, %slice3A_119, %slice3A_120 : vector<256x128xi1>, vector<256x128xf32>
      %add3A_128 = arith.constant 1.280000e+02 : f32
      %add3A_129 = vector.broadcast %add3A_128 : f32 to vector<256x1xf32>
      %add3A_130 = arith.addf %select_n3A_116, %add3A_129 : vector<256x1xf32>
      %select_n3A_131 = arith.select %le3A_124, %select_n3A_116, %add3A_130 : vector<256x1xi1>, vector<256x1xf32>
      %sub3A_132 = arith.subf %select_n3A_118, %broadcast_in_dim3A_123 : vector<256x1xf32>
      %select_n3A_133 = arith.select %le3A_124, %select_n3A_118, %sub3A_132 : vector<256x1xi1>, vector<256x1xf32>
      %slice3A_134 = vector.extract_strided_slice %select_n3A_127 {offsets = [0, 0], sizes = [256, 64], strides = [1, 1]} : vector<256x128xf32> to vector<256x64xf32>
      %slice3A_135 = vector.extract_strided_slice %select_n3A_127 {offsets = [0, 64], sizes = [256, 64], strides = [1, 1]} : vector<256x128xf32> to vector<256x64xf32>
      %reduce_sum3A_136 = arith.constant dense<0.000000e+00> : vector<256xf32>
      %reduce_sum3A_137 = vector.multi_reduction <add>, %slice3A_134, %reduce_sum3A_136 [1] : vector<256x64xf32> to vector<256xf32>
      %broadcast_in_dim3A_138 = vector.shape_cast %reduce_sum3A_137 : vector<256xf32> to vector<256x1xf32>
      %le3A_139 = arith.cmpf ole, %select_n3A_133, %broadcast_in_dim3A_138 : vector<256x1xf32>
      %broadcast_in_dim3A_140 = vector.shape_cast %le3A_139 : vector<256x1xi1> to vector<256x1xi1>
      %broadcast_in_dim3A_141 = vector.broadcast %broadcast_in_dim3A_140 : vector<256x1xi1> to vector<256x64xi1>
      %select_n3A_142 = arith.select %broadcast_in_dim3A_141, %slice3A_134, %slice3A_135 : vector<256x64xi1>, vector<256x64xf32>
      %add3A_143 = arith.constant 6.400000e+01 : f32
      %add3A_144 = vector.broadcast %add3A_143 : f32 to vector<256x1xf32>
      %add3A_145 = arith.addf %select_n3A_131, %add3A_144 : vector<256x1xf32>
      %select_n3A_146 = arith.select %le3A_139, %select_n3A_131, %add3A_145 : vector<256x1xi1>, vector<256x1xf32>
      %sub3A_147 = arith.subf %select_n3A_133, %broadcast_in_dim3A_138 : vector<256x1xf32>
      %select_n3A_148 = arith.select %le3A_139, %select_n3A_133, %sub3A_147 : vector<256x1xi1>, vector<256x1xf32>
      %slice3A_149 = vector.extract_strided_slice %select_n3A_142 {offsets = [0, 0], sizes = [256, 32], strides = [1, 1]} : vector<256x64xf32> to vector<256x32xf32>
      %slice3A_150 = vector.extract_strided_slice %select_n3A_142 {offsets = [0, 32], sizes = [256, 32], strides = [1, 1]} : vector<256x64xf32> to vector<256x32xf32>
      %reduce_sum3A_151 = arith.constant dense<0.000000e+00> : vector<256xf32>
      %reduce_sum3A_152 = vector.multi_reduction <add>, %slice3A_149, %reduce_sum3A_151 [1] : vector<256x32xf32> to vector<256xf32>
      %broadcast_in_dim3A_153 = vector.shape_cast %reduce_sum3A_152 : vector<256xf32> to vector<256x1xf32>
      %le3A_154 = arith.cmpf ole, %select_n3A_148, %broadcast_in_dim3A_153 : vector<256x1xf32>
      %broadcast_in_dim3A_155 = vector.shape_cast %le3A_154 : vector<256x1xi1> to vector<256x1xi1>
      %broadcast_in_dim3A_156 = vector.broadcast %broadcast_in_dim3A_155 : vector<256x1xi1> to vector<256x32xi1>
      %select_n3A_157 = arith.select %broadcast_in_dim3A_156, %slice3A_149, %slice3A_150 : vector<256x32xi1>, vector<256x32xf32>
      %add3A_158 = arith.constant 3.200000e+01 : f32
      %add3A_159 = vector.broadcast %add3A_158 : f32 to vector<256x1xf32>
      %add3A_160 = arith.addf %select_n3A_146, %add3A_159 : vector<256x1xf32>
      %select_n3A_161 = arith.select %le3A_154, %select_n3A_146, %add3A_160 : vector<256x1xi1>, vector<256x1xf32>
      %sub3A_162 = arith.subf %select_n3A_148, %broadcast_in_dim3A_153 : vector<256x1xf32>
      %select_n3A_163 = arith.select %le3A_154, %select_n3A_148, %sub3A_162 : vector<256x1xi1>, vector<256x1xf32>
      %slice3A_164 = vector.extract_strided_slice %select_n3A_157 {offsets = [0, 0], sizes = [256, 16], strides = [1, 1]} : vector<256x32xf32> to vector<256x16xf32>
      %slice3A_165 = vector.extract_strided_slice %select_n3A_157 {offsets = [0, 16], sizes = [256, 16], strides = [1, 1]} : vector<256x32xf32> to vector<256x16xf32>
      %reduce_sum3A_166 = arith.constant dense<0.000000e+00> : vector<256xf32>
      %reduce_sum3A_167 = vector.multi_reduction <add>, %slice3A_164, %reduce_sum3A_166 [1] : vector<256x16xf32> to vector<256xf32>
      %broadcast_in_dim3A_168 = vector.shape_cast %reduce_sum3A_167 : vector<256xf32> to vector<256x1xf32>
      %le3A_169 = arith.cmpf ole, %select_n3A_163, %broadcast_in_dim3A_168 : vector<256x1xf32>
      %broadcast_in_dim3A_170 = vector.shape_cast %le3A_169 : vector<256x1xi1> to vector<256x1xi1>
      %broadcast_in_dim3A_171 = vector.broadcast %broadcast_in_dim3A_170 : vector<256x1xi1> to vector<256x16xi1>
      %select_n3A_172 = arith.select %broadcast_in_dim3A_171, %slice3A_164, %slice3A_165 : vector<256x16xi1>, vector<256x16xf32>
      %add3A_173 = arith.constant 1.600000e+01 : f32
      %add3A_174 = vector.broadcast %add3A_173 : f32 to vector<256x1xf32>
      %add3A_175 = arith.addf %select_n3A_161, %add3A_174 : vector<256x1xf32>
      %select_n3A_176 = arith.select %le3A_169, %select_n3A_161, %add3A_175 : vector<256x1xi1>, vector<256x1xf32>
      %sub3A_177 = arith.subf %select_n3A_163, %broadcast_in_dim3A_168 : vector<256x1xf32>
      %select_n3A_178 = arith.select %le3A_169, %select_n3A_163, %sub3A_177 : vector<256x1xi1>, vector<256x1xf32>
      %slice3A_179 = vector.extract_strided_slice %select_n3A_172 {offsets = [0, 0], sizes = [256, 8], strides = [1, 1]} : vector<256x16xf32> to vector<256x8xf32>
      %slice3A_180 = vector.extract_strided_slice %select_n3A_172 {offsets = [0, 8], sizes = [256, 8], strides = [1, 1]} : vector<256x16xf32> to vector<256x8xf32>
      %reduce_sum3A_181 = arith.constant dense<0.000000e+00> : vector<256xf32>
      %reduce_sum3A_182 = vector.multi_reduction <add>, %slice3A_179, %reduce_sum3A_181 [1] : vector<256x8xf32> to vector<256xf32>
      %broadcast_in_dim3A_183 = vector.shape_cast %reduce_sum3A_182 : vector<256xf32> to vector<256x1xf32>
      %le3A_184 = arith.cmpf ole, %select_n3A_178, %broadcast_in_dim3A_183 : vector<256x1xf32>
      %broadcast_in_dim3A_185 = vector.shape_cast %le3A_184 : vector<256x1xi1> to vector<256x1xi1>
      %broadcast_in_dim3A_186 = vector.broadcast %broadcast_in_dim3A_185 : vector<256x1xi1> to vector<256x8xi1>
      %select_n3A_187 = arith.select %broadcast_in_dim3A_186, %slice3A_179, %slice3A_180 : vector<256x8xi1>, vector<256x8xf32>
      %add3A_188 = arith.constant 8.000000e+00 : f32
      %add3A_189 = vector.broadcast %add3A_188 : f32 to vector<256x1xf32>
      %add3A_190 = arith.addf %select_n3A_176, %add3A_189 : vector<256x1xf32>
      %select_n3A_191 = arith.select %le3A_184, %select_n3A_176, %add3A_190 : vector<256x1xi1>, vector<256x1xf32>
      %sub3A_192 = arith.subf %select_n3A_178, %broadcast_in_dim3A_183 : vector<256x1xf32>
      %select_n3A_193 = arith.select %le3A_184, %select_n3A_178, %sub3A_192 : vector<256x1xi1>, vector<256x1xf32>
      %slice3A_194 = vector.extract_strided_slice %select_n3A_187 {offsets = [0, 0], sizes = [256, 4], strides = [1, 1]} : vector<256x8xf32> to vector<256x4xf32>
      %slice3A_195 = vector.extract_strided_slice %select_n3A_187 {offsets = [0, 4], sizes = [256, 4], strides = [1, 1]} : vector<256x8xf32> to vector<256x4xf32>
      %reduce_sum3A_196 = arith.constant dense<0.000000e+00> : vector<256xf32>
      %reduce_sum3A_197 = vector.multi_reduction <add>, %slice3A_194, %reduce_sum3A_196 [1] : vector<256x4xf32> to vector<256xf32>
      %broadcast_in_dim3A_198 = vector.shape_cast %reduce_sum3A_197 : vector<256xf32> to vector<256x1xf32>
      %le3A_199 = arith.cmpf ole, %select_n3A_193, %broadcast_in_dim3A_198 : vector<256x1xf32>
      %broadcast_in_dim3A_200 = vector.shape_cast %le3A_199 : vector<256x1xi1> to vector<256x1xi1>
      %broadcast_in_dim3A_201 = vector.broadcast %broadcast_in_dim3A_200 : vector<256x1xi1> to vector<256x4xi1>
      %select_n3A_202 = arith.select %broadcast_in_dim3A_201, %slice3A_194, %slice3A_195 : vector<256x4xi1>, vector<256x4xf32>
      %add3A_203 = arith.constant 4.000000e+00 : f32
      %add3A_204 = vector.broadcast %add3A_203 : f32 to vector<256x1xf32>
      %add3A_205 = arith.addf %select_n3A_191, %add3A_204 : vector<256x1xf32>
      %select_n3A_206 = arith.select %le3A_199, %select_n3A_191, %add3A_205 : vector<256x1xi1>, vector<256x1xf32>
      %sub3A_207 = arith.subf %select_n3A_193, %broadcast_in_dim3A_198 : vector<256x1xf32>
      %select_n3A_208 = arith.select %le3A_199, %select_n3A_193, %sub3A_207 : vector<256x1xi1>, vector<256x1xf32>
      %slice3A_209 = vector.extract_strided_slice %select_n3A_202 {offsets = [0, 0], sizes = [256, 2], strides = [1, 1]} : vector<256x4xf32> to vector<256x2xf32>
      %slice3A_210 = vector.extract_strided_slice %select_n3A_202 {offsets = [0, 2], sizes = [256, 2], strides = [1, 1]} : vector<256x4xf32> to vector<256x2xf32>
      %reduce_sum3A_211 = arith.constant dense<0.000000e+00> : vector<256xf32>
      %reduce_sum3A_212 = vector.multi_reduction <add>, %slice3A_209, %reduce_sum3A_211 [1] : vector<256x2xf32> to vector<256xf32>
      %broadcast_in_dim3A_213 = vector.shape_cast %reduce_sum3A_212 : vector<256xf32> to vector<256x1xf32>
      %le3A_214 = arith.cmpf ole, %select_n3A_208, %broadcast_in_dim3A_213 : vector<256x1xf32>
      %broadcast_in_dim3A_215 = vector.shape_cast %le3A_214 : vector<256x1xi1> to vector<256x1xi1>
      %broadcast_in_dim3A_216 = vector.broadcast %broadcast_in_dim3A_215 : vector<256x1xi1> to vector<256x2xi1>
      %select_n3A_217 = arith.select %broadcast_in_dim3A_216, %slice3A_209, %slice3A_210 : vector<256x2xi1>, vector<256x2xf32>
      %add3A_218 = arith.constant 2.000000e+00 : f32
      %add3A_219 = vector.broadcast %add3A_218 : f32 to vector<256x1xf32>
      %add3A_220 = arith.addf %select_n3A_206, %add3A_219 : vector<256x1xf32>
      %select_n3A_221 = arith.select %le3A_214, %select_n3A_206, %add3A_220 : vector<256x1xi1>, vector<256x1xf32>
      %sub3A_222 = arith.subf %select_n3A_208, %broadcast_in_dim3A_213 : vector<256x1xf32>
      %select_n3A_223 = arith.select %le3A_214, %select_n3A_208, %sub3A_222 : vector<256x1xi1>, vector<256x1xf32>
      %slice3A_224 = vector.extract_strided_slice %select_n3A_217 {offsets = [0, 0], sizes = [256, 1], strides = [1, 1]} : vector<256x2xf32> to vector<256x1xf32>
      %reduce_sum3A_225 = arith.constant dense<0.000000e+00> : vector<256xf32>
      %reduce_sum3A_226 = vector.multi_reduction <add>, %slice3A_224, %reduce_sum3A_225 [1] : vector<256x1xf32> to vector<256xf32>
      %broadcast_in_dim3A_227 = vector.shape_cast %reduce_sum3A_226 : vector<256xf32> to vector<256x1xf32>
      %le3A_228 = arith.cmpf ole, %select_n3A_223, %broadcast_in_dim3A_227 : vector<256x1xf32>
      %add3A_229 = arith.constant 1.000000e+00 : f32
      %add3A_230 = vector.broadcast %add3A_229 : f32 to vector<256x1xf32>
      %add3A_231 = arith.addf %select_n3A_221, %add3A_230 : vector<256x1xf32>
      %select_n3A_232 = arith.select %le3A_228, %select_n3A_221, %add3A_231 : vector<256x1xi1>, vector<256x1xf32>
      %convert_element_type3A_233 = arith.fptosi %select_n3A_232 : vector<256x1xf32> to vector<256x1xi32>
      %gt3A = vector.broadcast %while3A#0 : vector<256x1xf32> to vector<256x4096xf32>
      %gt3A_234 = arith.cmpf ogt, %max3A_13, %gt3A : vector<256x4096xf32>
      %le3A_235 = vector.broadcast %convert_element_type3A_233 : vector<256x1xi32> to vector<256x4096xi32>
      %le3A_236 = arith.cmpi sle, %iota3A, %le3A_235 : vector<256x4096xi32>
      %and3A = arith.andi %eq3A_49, %le3A_236 : vector<256x4096xi1>
      %or3A = arith.ori %gt3A_234, %and3A : vector<256x4096xi1>
      %jit3A_237 = arith.constant 0.000000e+00 : f32
      %broadcast_in_dim3A_238 = vector.broadcast %jit3A_237 : f32 to vector<256x4096xf32>
      %select_n3A_239 = arith.select %or3A, %max3A_13, %broadcast_in_dim3A_238 : vector<256x4096xi1>, vector<256x4096xf32>
      %swap3A = arith.constant 0 : index
      %swap3A_240 = arith.constant 0 : index
      %swap3A_241 = vector.load %arg5[%swap3A, %swap3A_240] : memref<256x4096xf32, #tpu.memory_space<vmem>>, vector<256x4096xf32>
      tpu.vector_store %arg5[%swap3A, %swap3A_240], %select_n3A_239 {strides = array<i32>} : memref<256x4096xf32, #tpu.memory_space<vmem>>, vector<256x4096xf32>,
    } else {
    }
    return
  }
  func.func @transform_0(%arg0: i32) -> (i32, i32) {
    %c0_i32 = arith.constant 0 : i32
    %c0_i32_0 = arith.constant 0 : i32
    %c0_i32_1 = arith.constant 0 : i32
    return %c0_i32, %c0_i32_0 : i32, i32
  }
  func.func @transform_1(%arg0: i32) -> (i32, i32) {
    %c0_i32 = arith.constant 0 : i32
    %c0_i32_0 = arith.constant 0 : i32
    %c0_i32_1 = arith.constant 0 : i32
    return %c0_i32, %c0_i32_0 : i32, i32
  }
  func.func @transform_2(%arg0: i32) -> (i32, i32) {
    %c0_i32 = arith.constant 0 : i32
    %c0_i32_0 = arith.constant 0 : i32
    %c0_i32_1 = arith.constant 0 : i32
    return %c0_i32, %c0_i32_0 : i32, i32
  }
  func.func @transform_3(%arg0: i32) -> (i32, i32) {
    %c0_i32 = arith.constant 0 : i32
    %c0_i32_0 = arith.constant 0 : i32
    %c0_i32_1 = arith.constant 0 : i32
    return %c0_i32, %c0_i32_0 : i32, i32
  }
  func.func @transform_4(%arg0: i32) -> (i32, i32) {
    %c0_i32 = arith.constant 0 : i32
    %c0_i32_0 = arith.constant 0 : i32
    return %arg0, %c0_i32 : i32, i32
  }
}

</mosaic_0001>

<sc_bundles>
// kernel: kernel.4.cloned.1.call-start
scs
__scs_entry_jumppad:
0x0: {  	(pc) =	sbr.rel $0x88, $3  }
0x1: {  	(tag) =	ssettag $0x0;
	lr =	simm.s32 $0x1  }
0x2: {  	[smem:$0x3F9C] =	sst lr;
	_ =	strace $0xD0000000  }
0x3: {  	_ = 	snop  }
0x4: {  	_ = 	snop  }
0x5: {  	_ = 	snop  }
0x6: {  	_ = 	snop  }
0x7: {  	_ = 	snop  }
__scs_overlays_trampoline_lowered:
0x8: {  	[smem:$0x3FAB] =	sst s0  }
0x9: {  	[smem:$0x3FAC] =	sst s1  }
0xa: {  	[smem:$0x3FAD] =	sst s2  }
0xb: {  	[smem:$0x3FAE] =	sst s3  }
0xc: {  	[smem:$0x3FAF] =	sst s4  }
0xd: {  	[smem:$0x3FB0] =	sst s5  }
0xe: {  	[smem:$0x3FB1] =	sst s6  }
0xf: {  	[smem:$0x3FB2] =	sst s7  }
0x10: {  	[smem:$0x3FB3] =	sst s8  }
0x11: {  	[smem:$0x3FB4] =	sst s9;
	s0 =	simm.s32 @!p0 $0x0  }
0x12: {  	s1 =	sld [smem:$0x3F9A];
	s0 =	simm.s32 @p0 $0x1  }
0x13: {  	[smem:$0x3FB5] =	sst s0;
	s0 =	simm.s32 @!p1 $0x0  }
0x14: {  	s2 =	sld [smem:$0x3F99];
	s0 =	simm.s32 @p1 $0x1  }
0x15: {  	[smem:$0x3FB6] =	sst s0;
	s0 =	simm.s32 @!p2 $0x0  }
0x16: {  	s3 =	sld [smem:$0x3FDB];
	s0 =	simm.s32 @p2 $0x1  }
0x17: {  	s4 =	simm.s32 $0x1BF5;
	[smem:$0x3FB8] =	sst s0  }
0x18: {  	s0 =	sld [smem:$0x3F9B];
	_ =	swait.ge [sflag:s4], $0x0  }
0x19: {  	s7 =	sld [smem:$0x3F9C]  }
0x1a: {  	s8 =	sadd.s32 $0xFFFFE003, lr  }
0x1b: {  	s9 =	sadd.s32 $0xFFFFFEF7, lr;
	s5 =	simm.s32 $0xFFFFFFFF;
	p2 =	slt.u32 s8, $0xFFFFF086  }
0x1c: {  	p1 =	slt.u32 s9, $0xF7A;
	s5 =	simm.s32 @!p2 $0x0  }
0x1d: {  	s5 =	simm.s32 @p1 $0x1;
	p0 =	seq.s32 s7, s2  }
0x1e: {  	s7 =	smul.u32 @!p0 $0xF7A, s2;
	p2 =	seq.s32 @!p0 s5, $0x0  }
0x1f: {  	s9 =	smul.u32 $0xF7A, s1;
	s8 =	simm.s32 @!p0 $0x1BF5;
	p2 =	por !p2, p0  }
0x20: {  	[sflag:s8] =	ssyncset.s32 @!p0 $0xFFFFF086;
	s6 =	sadd.s32 @!p0 s3, s7;
	s7 =	simm.s32 @!p0 $0x108  }
0x21: {  	s3 =	sadd.s32 s3, s9;
	s6 =	sadd.s32 @!p0 $0x88, s6;
	s7 =	simm.s32 @p2 $0x1082  }
0x22: {  	[simem:s7], [sflag:s8] =	dma.local @!p0 [hbm:s6], $0xF7A  }
0x23: {  	s9 =	sor.u32 $0xD0000000, s2;
	s6 =	simm.s32 $0x108;
	_ =	swait.ge @!p0 [sflag:s8], $0x0  }
0x24: {  	s3 =	sadd.s32 $0x88, s3;
	s6 =	simm.s32 @!p1 $0x1082;
	[sflag:s4] =	ssyncset.s32 $0xFFFFF086  }
0x25: {  	[simem:s6], [sflag:s4] =	dma.local [hbm:s3], $0xF7A  }
0x26: {  	[smem:$0x3F9C] =	sst s1;
	(tag) =	ssettag s2;
	_ =	strace s9  }
0x27: {  	s1 =	sld [smem:$0x3FAC]  }
0x28: {  	s2 =	sld [smem:$0x3FAD]  }
0x29: {  	s4 =	sld [smem:$0x3FAF]  }
0x2a: {  	p0 =	seq.s32 s5, $0x0;
	s5 =	sld [smem:$0x3FB0]  }
0x2b: {  	s6 =	sld [smem:$0x3FB1]  }
0x2c: {  	s7 =	sld [smem:$0x3FB2]  }
0x2d: {  	s3 =	simm.s32 $0x108;
	s8 =	sld [smem:$0x3FB3]  }
0x2e: {  	s3 =	simm.s32 @!p0 $0x1082;
	s9 =	sld [smem:$0x3FB4]  }
0x2f: {  	lr =	sadd.s32 s0, s3;
	s0 =	sld [smem:$0x3FAB]  }
0x30: {  	s3 =	sld [smem:$0x3FAE]  }
0x31: {  	[smem:$0x3FB7] =	sst s10  }
0x32: {  	s10 =	sld [smem:$0x3FB5];
	_ =	sdelay $0x3  }
0x33: {  	p0 =	seq.s32 s10, $0x1;
	s10 =	sld [smem:$0x3FB7];
	_ =	sdelay $0x3  }
0x34: {  	[smem:$0x3FB7] =	sst s10  }
0x35: {  	s10 =	sld [smem:$0x3FB6];
	_ =	sdelay $0x3  }
0x36: {  	p1 =	seq.s32 s10, $0x1;
	s10 =	sld [smem:$0x3FB7];
	_ =	sdelay $0x3  }
0x37: {  	[smem:$0x3FB7] =	sst s10  }
0x38: {  	s10 =	sld [smem:$0x3FB8]  }
0x39: {  	_ = 	snop;
	(pc) =	sbr.ind lr, $3  }
0x3a: {  	_ = 	snop  }
0x3b: {  	_ = 	snop  }
0x3c: {  	p2 =	seq.s32 s10, $0x1;
	s10 =	sld [smem:$0x3FB7]  }
0x3d: {  	_ =	shalt  }
0x3e: {  	_ =	shalt  }
0x3f: {  	_ =	shalt  }
0x40: {  	_ =	shalt  }
0x41: {  	_ =	shalt  }
0x42: {  	_ =	shalt  }
0x43: {  	_ =	shalt  }
0x44: {  	_ =	shalt  }
0x45: {  	_ =	shalt  }
0x46: {  	_ =	shalt  }
0x47: {  	_ =	shalt  }
0x48: {  	_ =	shalt  }
0x49: {  	_ =	shalt  }
0x4a: {  	_ =	shalt  }
0x4b: {  	_ =	shalt  }
0x4c: {  	_ =	shalt  }
0x4d: {  	_ =	shalt  }
0x4e: {  	_ =	shalt  }
0x4f: {  	_ =	shalt  }
0x50: {  	_ =	shalt  }
0x51: {  	_ =	shalt  }
0x52: {  	_ =	shalt  }
0x53: {  	_ =	shalt  }
0x54: {  	_ =	shalt  }
0x55: {  	_ =	shalt  }
0x56: {  	_ =	shalt  }
0x57: {  	_ =	shalt  }
0x58: {  	_ =	shalt  }
0x59: {  	_ =	shalt  }
0x5a: {  	_ =	shalt  }
0x5b: {  	_ =	shalt  }
0x5c: {  	_ =	shalt  }
0x5d: {  	_ =	shalt  }
0x5e: {  	_ =	shalt  }
0x5f: {  	_ =	shalt  }
0x60: {  	_ =	shalt  }
0x61: {  	_ =	shalt  }
0x62: {  	_ =	shalt  }
0x63: {  	_ =	shalt  }
0x64: {  	_ =	shalt  }
0x65: {  	_ =	shalt  }
0x66: {  	_ =	shalt  }
0x67: {  	_ =	shalt  }
0x68: {  	_ =	shalt  }
0x69: {  	_ =	shalt  }
0x6a: {  	_ =	shalt  }
0x6b: {  	_ =	shalt  }
0x6c: {  	_ =	shalt  }
0x6d: {  	_ =	shalt  }
0x6e: {  	_ =	shalt  }
0x6f: {  	_ =	shalt  }
0x70: {  	_ =	shalt  }
0x71: {  	_ =	shalt  }
0x72: {  	_ =	shalt  }
0x73: {  	_ =	shalt  }
0x74: {  	_ =	shalt  }
0x75: {  	_ =	shalt  }
0x76: {  	_ =	shalt  }
0x77: {  	_ =	shalt  }
0x78: {  	_ =	shalt  }
0x79: {  	_ =	shalt  }
0x7a: {  	_ =	shalt  }
0x7b: {  	_ =	shalt  }
0x7c: {  	_ =	shalt  }
0x7d: {  	_ =	shalt  }
0x7e: {  	_ =	shalt  }
0x7f: {  	_ =	shalt  }
0x80: {  	_ =	shalt  }
0x81: {  	_ =	shalt  }
0x82: {  	_ =	shalt  }
0x83: {  	_ =	shalt  }
0x84: {  	_ =	shalt  }
0x85: {  	_ =	shalt  }
0x86: {  	_ =	shalt  }
0x87: {  	_ =	shalt  }
.Lfunc_end0:
.L_simem_size_0:
called_computation_lowered:
.L_overlay_start_0:
0x88: {  	s2 =	sld [smem:$0x3FD9]  }
0x89: {  	s3 =	sld [smem:$0x3FFE];
	_ =	sdelay $0x1  }
0x8a: {  	s1 =	srdreg.scid  }
0x8b: {  	s0 =	sand.u32 $0x1, s1  }
0x8c: {  	s18 =	sshll.u32 s0, $0xA;
	s2 =	sadd.s32 s3, s2  }
0x8d: {  	s2 =	sadd.s32 s2, s18  }
0x8e: {  	[smem:$0x3FC3] =	sst s2  }
0x8f: {  	_ = 	snop  }
0x90: {  	s2 =	sld [smem:$0x3FC9]  }
0x91: {  	s19 =	sld [smem:$0x3FC7]  }
0x92: {  	s4 =	sld [smem:$0x3FD0];
	(tm) =	ssettm $0x1  }
0x93: {  	s5 =	sld [smem:$0x3FFB];
	_ =	sdelay $0x3  }
0x94: {  	_ =	strace s5  }
0x95: {  	s5 =	sld [smem:$0x3FFC];
	_ =	sdelay $0x3  }
0x96: {  	_ =	strace s5  }
0x97: {  	s5 =	sld [smem:$0x3FFD];
	_ =	sdelay $0x3  }
0x98: {  	_ =	strace s5  }
0x99: {  	_ =	strace $0x8FFFFFFF  }
0x9a: {  	s20 =	sld [smem:$0x3FDB];
	_ =	sdelay $0x1  }
0x9b: {  	s6 =	simm.s32 $_scs_section_size  }
0x9c: {  	s7 =	simm.s32 $_size__tile_overlayer_lowered;
	s8 =	simm.s32 $_tile_overlayer_lowered  }
0x9d: {  	s23 =	simm.s32 $0x1BFF;
	s22 =	sshll.u32 s8, $0x1;
	s5 =	sadd.s32 s6, s20  }
0x9e: {  	s9 =	simm.s32 $0x0;
	s21 =	sshll.u32 s7, $0x1;
	s7 =	sadd.s32 s22, s5  }
0x9f: {  	[timem:s9], [sflag:s23] =	dma.local [hbm:s7], s21  }
0xa0: {  	_ =	swait.ge [sflag:s23], s21  }
0xa1: {  	s6 =	ssub.s32 $0x0, s21;
	[sflag:s23] =	ssyncset.done $0x0  }
0xa2: {  	[sflag:s23] =	ssyncadd.s32 s6;
	_ =	sdelay $0x1  }
0xa3: {  	s24 =	simm.s32 $0x1B8B  }
0xa4: {  	_ =	swait.ge [sflag:s24], $0x1  }
0xa5: {  	[sflag:s24] =	ssyncset.done $0x0  }
0xa6: {  	s25 =	simm.s32 $0x1B8E;
	[sflag:s24] =	ssyncadd.s32 $0xFFFFFFFF  }
0xa7: {  	s26 =	simm.s32 $execute0_lowered;
	[smem:$0x3FD2] =	sst s25  }
0xa8: {  	s6 =	sshll.u32 s26, $0x1;
	_ =	strace $0x80000046;
	[dreg:$0x1] =	wrdreg $0xFFFFFFFF  }
0xa9: {  	s28 =	simm.s32 $_size_execute0_lowered;
	s5 =	sadd.s32 s5, s6;
	[dreg:$0x0] =	wrdreg $0x0  }
0xaa: {  	s6 =	sshll.u32 s28, $0x1;
	[dreg:$0x2] =	wrdreg s5  }
0xab: {  	[dreg:$0x3] =	wrdreg s6  }
0xac: {  	[dreg:$0x4] =	wrdreg $0xC0  }
0xad: {  	_ =	task [dreg:s9], $0x5FFFF  }
0xae: {  	[dreg:$0x1] =	wrdreg $0xFFFFFFFF  }
0xaf: {  	[dreg:$0x0] =	wrdreg $0x60  }
0xb0: {  	[dreg:$0x2] =	wrdreg s19  }
0xb1: {  	[dreg:$0x3] =	wrdreg s2  }
0xb2: {  	[dreg:$0x4] =	wrdreg s4  }
0xb3: {  	[dreg:$0x5] =	wrdreg $0x9  }
0xb4: {  	_ =	task.clear_ibuf [dreg:s9], $0x6FFFF;
	_ =	strace $0x90000046  }
0xb5: {  	s29 =	simm.s32 $0x9;
	_ =	strace $0x80000048  }
0xb6: {  	_ =	swait.ge [sflag:s29], $0x1  }
0xb7: {  	[sflag:s29] =	ssyncadd.s32 $0xFFFFFFFF  }
0xb8: {  	_ =	strace $0x90000048  }
0xb9: {  	_ =	sfence  }
0xba: {  	s30 =	sld [smem:$0x0];
	_ =	sdelay $0x2  }
0xbb: {  	s31 =	sshll.u32 s1, $0xD;
	s1 =	sshrl.u32 s1, $0x2  }
0xbc: {  	s3 =	sand.u32 $0x4000, s31;
	s1 =	sadd.s32 s1, s30  }
0xbd: {  	s0 =	sor.u32 s3, s0;
	s1 =	sshll.u32 s1, $0x11  }
0xbe: {  	s0 =	sor.u32 s1, s0  }
0xbf: {  	s0 =	sadd.s32 $0x8F2B, s0  }
0xc0: {  	[sflag:s0] =	ssyncadd.remote.s32 $0x1  }
0xc1: {  	_ =	sfence.sel $0xFFFF  }
0xc2: {  	[dreg:$0x0] =	wrdreg $0xFFFFFFFF;
	(pc) =	sbr.abs _section_cstart, $3  }
0xc3: {  	[dreg:$0x1] =	wrdreg $0xFFFFFFFF  }
0xc4: {  	_ =	task.clear_ibuf [dreg:s9], $0x2FFFF;
	_ =	strace $0x9FFFFFFF  }
0xc5: {  	(tm) =	ssettm $0x7FFFFFFF  }
tec
execute0_lowered:
.L_overlay_start_1:
0x0: {  	(tag) =	ssettag $0x1  }
0x1: {  	s1 =	rddreg [dreg:$0x0]  }
0x2: {  	s2 =	srdreg.scid;
	s4 =	rddreg [dreg:$0x1]  }
0x3: {  	s0 =	stileid.u32;
	s8 =	rddreg [dreg:$0x2];
	s6 =	sand.u32 $0x1, s2  }
0x4: {  	s3 =	simm.s32 $0x0;
	s5 =	sshll.u32 s0, $0x8;
	s7 =	sshll.u32 s6, $0x7  }
0x5: {  	[smem:$0x7FF] =	sst s3;
	s9 =	sor.u32 s7, s5  }
0x6: {  	s2 =	rddreg [dreg:$0x3];
	_ =	strace $0x80000047;
	s5 =	sshrl.u32 s9, $0x3  }
0x7: {  	s10 =	ssub.s32 $0x2, s6;
	s5 =	sadd.s32 s4, s5;
	s4 =	simm.s32 $0x2  }
0x8: {  	[tilespmem:s3], [sflag:$0x2] =	stream.linear.gather [hbm4b:s5+s3], $0x80, $0x38;
	[tilespmem:$0x4080] =	vst v63  }
0x9: {  	s11 =	sshrl.u32 s10, $0x1;
	_ =	swait.ge [sflag:s4], $0x80  }
0xa: {  	s6 =	simm.s32 $0x80;
	s10 =	ssub.s32 s10, s11;
	[sflag:s4] =	ssyncset.done $0x0  }
0xb: {  	s7 =	simm.s32 $0x1;
	s31 =	smax.u32 s10, $0x1;
	[sflag:s4] =	ssyncadd.s32 $0xFFFFFF80  }
0xc: {  	[tilespmem:s6], [sflag:$0x1] =	stream.indirect.gather [hbm4b:s1+s6], $0x80, s3, s6, $0xb8;
	[tilespmem:$0x4080] =	vst v63  }
0xd: {  	p0 =	sne.s32 s31, $0x1;
	_ =	swait.ge [sflag:s7], $0x4000  }
.Ltmp0:
0xe: {  	s9 =	sshll.u32 s9, $0x4;
	[sflag:s7] =	ssyncset.done $0x0;
	(pc) =	sbr.rel @!p0 .LBB2_2-.Ltmp0, $4  }
0xf: {  	s8 =	sadd.s32 s8, s9;
	[sflag:s7] =	ssyncadd.s32 $0xFFFFC000  }
0x10: {  	[hbm4b:s8+s3] =	stream.linear.scatter [tilespmem:s6], [sflag:$0x2], $0x4000, $0x38;
	[tilespmem:$0x4080] =	vst v63  }
0x11: {  	_ =	swait.ge [sflag:s4], $0x4000  }
0x12: {  	s9 =	sadd.s32 $0xFFFFFFFF, s31;
	[sflag:s4] =	ssyncset.done $0x0  }
.LBB2_1:
0x13: {  	p0 =	sne.s32 s9, $0x1;
	s9 =	sadd.s32 $0xFFFFFFFF, s9;
	[sflag:s4] =	ssyncadd.s32 $0xFFFFC000  }
0x14: {  	[tilespmem:s3], [sflag:$0x2] =	stream.linear.gather [hbm4b:s5+s3], $0x80, $0x38;
	[tilespmem:$0x4080] =	vst v63  }
0x15: {  	_ =	swait.ge [sflag:s4], $0x80  }
0x16: {  	[sflag:s4] =	ssyncset.done $0x0  }
0x17: {  	[sflag:s4] =	ssyncadd.s32 $0xFFFFFF80  }
0x18: {  	[tilespmem:s6], [sflag:$0x1] =	stream.indirect.gather [hbm4b:s1+s6], $0x80, s3, s6, $0xb8;
	[tilespmem:$0x4080] =	vst v63  }
0x19: {  	_ =	swait.ge [sflag:s7], $0x4000  }
.Ltmp1:
0x1a: {  	[sflag:s7] =	ssyncset.done $0x0;
	(pc) =	sbr.rel @p0 .LBB2_1-.Ltmp1, $4  }
0x1b: {  	[sflag:s7] =	ssyncadd.s32 $0xFFFFC000  }
0x1c: {  	[hbm4b:s8+s3] =	stream.linear.scatter [tilespmem:s6], [sflag:$0x2], $0x4000, $0x38;
	[tilespmem:$0x4080] =	vst v63  }
0x1d: {  	_ =	swait.ge [sflag:s4], $0x4000  }
0x1e: {  	[sflag:s4] =	ssyncset.done $0x0  }
.LBB2_2:
0x1f: {  	[sflag:s4] =	ssyncadd.s32 $0xFFFFC000  }
0x20: {  	_ =	sfence.sel $0x180000  }
0x21: {  	[bflag:$0x0] =	sbarrier.arrive $0xFFFF  }
0x22: {  	p0 =	sne.s32 s0, $0x0;
	_ =	strace $0x90000047  }
0x23: {  	s0 =	sadd.s32 @!p0 $0x100000, s2;
	[bflag:$0x2] =	sbarrier.arrive $0xFFFF  }
0x24: {  	[sflag:s0] =	ssyncadd.tile.s32 @!p0 $0x1;
	_ =	shalt  }
.Lfunc_end2:
_tile_overlayer_lowered:
.L_overlay_start_2:
0x25: {  	(tag) =	ssettag $0x2  }
0x26: {  	s0 =	rddreg [dreg:$0x0];
	s2 =	stileid.u32  }
0x27: {  	s1 =	rddreg [dreg:$0x1];
	p0 =	sne.s32 s2, $0x0  }
0x28: {  	s3 =	rddreg [dreg:$0x2];
	[bflag:$0x3] =	sbarrier.arrive $0xFFFF;
	s2 =	simm.s32 @!p0 $0x1C02  }
0x29: {  	[timem:s3], [sflag:s2] =	dma.local @!p0 [hbm:s0], s1  }
0x2a: {  	s0 =	simm.s32 @!p0 $0x2  }
0x2b: {  	_ =	swait.ge @!p0 [sflag:s0], s1  }
0x2c: {  	s1 =	ssub.s32 @!p0 $0x0, s1;
	[sflag:s0] =	ssyncset.done @!p0 $0x0  }
0x2d: {  	[sflag:s0] =	ssyncadd.s32 @!p0 s1  }
0x2e: {  	[bflag:$0x3] =	sbarrier.arrive $0xFFFF  }
0x2f: {  	_ =	shalt  }

</sc_bundles>
